<compile_context>
chip_gen: v7x
topology: tpu7x:2x2x1
jax: 0.10.2.dev20260603
libtpu: 0.0.44.dev20260713+nightly
codegen_flags: <defaults>
</compile_context>

<pallas_src>
import functools

import jax
import jax.numpy as jnp
from jax import lax
from jax.experimental import pallas as pl
from jax.experimental.pallas import tpu as pltpu
from jax.experimental.pallas import tpu_sc as plsc

NC = 2
NS = 16
NW = NC * NS
LANES = 128
PITCH = 16


@functools.partial(jax.jit, static_argnums=(3,))
def _sc_gather(iii2d, t0_flat, t1_flat, d):
    per_w = iii2d.shape[1]
    n_chunks = per_w // LANES
    flat_w = per_w * PITCH
    d1 = d - 8
    mesh = plsc.VectorSubcoreMesh(core_axis_name="c", subcore_axis_name="s")

    @functools.partial(
        pl.kernel,
        out_type=jax.ShapeDtypeStruct((NW * flat_w,), jnp.float32),
        mesh=mesh,
        scratch_types=[
            pltpu.VMEM((per_w,), jnp.int32),
            pltpu.VMEM((d * per_w,), jnp.int32),
            pltpu.VMEM((d * per_w,), jnp.float32),
            pltpu.VMEM((flat_w,), jnp.float32),
            pltpu.SemaphoreType.DMA((d,)),
            pltpu.SemaphoreType.DMA,
        ],
        compiler_params=pltpu.CompilerParams(needs_layout_passes=False),
    )
    def gather_kernel(
        iii_hbm, t0_hbm, t1_hbm, out_hbm, idxr_v, idx_v, feat_v, g_v, sems, sem2
    ):
        wid = lax.axis_index("s") * NC + lax.axis_index("c")
        pltpu.sync_copy(iii_hbm.at[wid], idxr_v)

        def addr_body(v, _):
            x = idxr_v[pl.ds(v * 16, 16)]
            q = lax.shift_right_logical(x, 7)
            r = jnp.bitwise_and(x, 127)
            b0 = q * 1024 + r
            b1 = q * (d1 * 128) + r
            for f in range(d):
                base = b0 + f * 128 if f < 8 else b1 + (f - 8) * 128
                idx_v[pl.ds(f * per_w + v * 16, 16)] = base
            return 0

        lax.fori_loop(0, per_w // 16, addr_body, 0)

        def chunk_body(c, _):
            for f in range(d):
                src = t0_hbm if f < 8 else t1_hbm
                pltpu.async_copy(
                    src.at[idx_v.at[pl.ds((f * n_chunks + c) * LANES, LANES)]],
                    feat_v.at[pl.ds((f * n_chunks + c) * LANES, LANES)],
                    sems.at[f],
                )
            return 0

        lax.fori_loop(0, n_chunks, chunk_body, 0)

        zeros16 = jnp.zeros((16,), jnp.float32)

        def zero_body(z, _):
            g_v[pl.ds(z * 16, 16)] = zeros16
            return 0

        lax.fori_loop(0, flat_w // 16, zero_body, 0)

        lane16 = lax.iota(jnp.int32, 16) * PITCH

        for f in range(d):
            pltpu.make_async_copy(
                out_hbm.at[pl.ds(0, per_w)],
                feat_v.at[pl.ds(f * per_w, per_w)],
                sems.at[f],
            ).wait()

            def asm_g(g, _, f=f):
                v = feat_v[pl.ds(f * per_w + g * 16, 16)]
                plsc.store_scatter(g_v, [lane16 + (g * (16 * PITCH) + f)], v)
                return 0

            lax.fori_loop(0, per_w // 16, asm_g, 0)

        pltpu.async_copy(g_v, out_hbm.at[pl.ds(wid * flat_w, flat_w)], sem2).wait()

    return gather_kernel(iii2d, t0_flat, t1_flat)


def _sc_flatten_slab1(table_t, tail_src, lane_tiles, d1):
    kb = 49
    nb = 5
    per = kb * nb
    last_full = (table_t.shape[1] // 128) - 1 + 1
    tail_q0 = 7791
    tail_w = 21 * 128
    tail_k = 21
    out_len = (lane_tiles + 7) // 8 * 8 * d1 * 128
    mesh = plsc.VectorSubcoreMesh(core_axis_name="c", subcore_axis_name="s")

    @functools.partial(
        pl.kernel,
        out_type=jax.ShapeDtypeStruct((out_len,), jnp.float32),
        mesh=mesh,
        scratch_types=[
            pltpu.VMEM((d1, kb * 128), jnp.float32),
            pltpu.VMEM((kb * d1 * 128,), jnp.float32),
            pltpu.SemaphoreType.DMA,
        ],
        compiler_params=pltpu.CompilerParams(needs_layout_passes=False),
    )
    def slab1_kernel(table_hbm, tail_hbm, out_hbm, buf, out_v, sem):
        wid = lax.axis_index("s") * NC + lax.axis_index("c")
        q0w = wid * per

        def fill(n_tiles):
            def fill_t(t, _):
                for r in range(d1):
                    for s in range(8):
                        out_v[pl.ds((t * d1 + r) * 128 + s * 16, 16)] = buf[
                            r, pl.ds(t * 128 + s * 16, 16)
                        ]
                return 0

            lax.fori_loop(0, n_tiles, fill_t, 0)

        def batch_body(bi, _):
            qb = q0w + bi * kb

            @pl.when(qb + kb <= last_full)
            def _():
                pltpu.sync_copy(
                    table_hbm.at[pl.ds(8, d1), pl.ds(qb * 128, kb * 128)], buf
                )
                fill(kb)
                pltpu.async_copy(
                    out_v, out_hbm.at[pl.ds(qb * d1 * 128, kb * d1 * 128)], sem
                ).wait()

            return 0

        lax.fori_loop(0, nb, batch_body, 0)

        @pl.when(wid == NW - 1)
        def _():
            pltpu.sync_copy(
                table_hbm.at[pl.ds(8, d1), pl.ds(tail_q0 * 128, tail_w)],
                buf.at[pl.ds(0, d1), pl.ds(0, tail_w)],
            )
            fill(tail_k)
            pltpu.async_copy(
                out_v.at[pl.ds(0, tail_k * d1 * 128)],
                out_hbm.at[pl.ds(tail_q0 * d1 * 128, tail_k * d1 * 128)],
                sem,
            ).wait()
            pltpu.sync_copy(tail_hbm, out_v.at[pl.ds(0, d1 * 128)])
            pltpu.async_copy(
                out_v.at[pl.ds(0, d1 * 128)],
                out_hbm.at[pl.ds((tail_q0 + tail_k) * d1 * 128, d1 * 128)],
                sem,
            ).wait()

    return slab1_kernel(table_t, tail_src)


def _flat_body(i_ref, o_ref):
    rr = o_ref.shape[0] // (i_ref.shape[1] // 128)
    k = o_ref.shape[0] // rr
    x = i_ref[...].reshape(8, k, 128)
    o_ref[...] = jnp.swapaxes(x[:rr], 0, 1).reshape(k * rr, 128)


def _flatten_slab(table_t, slab, rr, lane_tiles, kc):
    n_c = -(-lane_tiles // kc)
    return pl.pallas_call(
        _flat_body,
        grid=(n_c,),
        in_specs=[pl.BlockSpec((8, kc * 128), lambda c, s=slab: (s, c))],
        out_specs=pl.BlockSpec((kc * rr, 128), lambda c: (c, 0)),
        out_shape=jax.ShapeDtypeStruct((n_c * kc * rr, 128), jnp.float32),
    )(table_t)


def _mm_body(g1_ref, g2_ref, w1_ref, w2_ref, b_ref, o_ref):
    acc = jnp.dot(
        g1_ref[...], w1_ref[...], preferred_element_type=jnp.float32
    ) + jnp.dot(g2_ref[...], w2_ref[...], preferred_element_type=jnp.float32)
    o_ref[...] = acc.reshape(o_ref.shape) + b_ref[...]


def kernel(input1, input2, embed_table, W, b):
    B = input1.shape[0]
    rows, D = embed_table.shape
    n_out = W.shape[0]

    tot = 2 * B
    per_w = tot // NW
    n_chunks = per_w // LANES
    pack = 128 // PITCH

    lane_tiles = (rows + 127) // 128
    kc = 601

    d1 = D - 8

    iii2d = jnp.concatenate([input1, input2]).astype(jnp.int32).reshape(NW, per_w)
    table_t = embed_table.T
    t0_flat = _flatten_slab(table_t, 0, 8, lane_tiles, kc).reshape(-1)
    tail_src = jnp.pad(
        table_t[8:, (lane_tiles - 1) * 128 :], ((0, 0), (0, lane_tiles * 128 - rows))
    ).reshape(-1)
    t1_flat = _sc_flatten_slab1(table_t, tail_src, lane_tiles, d1)

    flat = _sc_gather(iii2d, t0_flat, t1_flat, D)
    g_view = flat.reshape(tot * PITCH // 128, 128)

    wp1 = jnp.pad(W[:, :D].T, ((0, PITCH - D), (0, 0)))
    wp2 = jnp.pad(W[:, D:].T, ((0, PITCH - D), (0, 0)))
    eye = jnp.eye(pack, dtype=jnp.float32)
    ww1 = jnp.kron(eye, wp1)
    ww2 = jnp.kron(eye, wp2)
    bias_v = b.reshape(1, n_out)

    m_view = B * PITCH // 128
    n_wide = pack * n_out
    BM = 256
    grid = m_view // BM
    out = pl.pallas_call(
        _mm_body,
        grid=(grid,),
        in_specs=[
            pl.BlockSpec((BM, 128), lambda i: (i, 0)),
            pl.BlockSpec((BM, 128), lambda i, g=grid: (i + g, 0)),
            pl.BlockSpec((128, n_wide), lambda i: (0, 0)),
            pl.BlockSpec((128, n_wide), lambda i: (0, 0)),
            pl.BlockSpec((1, n_out), lambda i: (0, 0)),
        ],
        out_specs=pl.BlockSpec((BM * pack, n_out), lambda i: (i, 0)),
        out_shape=jax.ShapeDtypeStruct((B, n_out), jnp.float32),
    )(g_view, g_view, ww1, ww2, bias_v)
    return out

# --- scband reference (transcript-rebuilt; emitter-appended) ---
"""Pipeline reference for scband-model-57887569215679 (READ-ONLY COPY).

The authoritative reference and input builder live on the scoring server;
editing this copy changes nothing except your own understanding.
"""

import jax, jax.numpy as jnp
import numpy as np

VOCAB = 1000000
EMBED_DIM = 10
N_OUT = 128
BATCH = 16384

def setup_inputs(seed: int = 0) -> dict:
    key = jax.random.key(seed)
    k1, k2, k3, k4, k5 = jax.random.split(key, 5)
    input1 = jax.random.randint(k1, (BATCH,), 0, VOCAB, dtype=jnp.int64 if jax.config.jax_enable_x64 else jnp.int32)
    input2 = jax.random.randint(k2, (BATCH,), 0, VOCAB, dtype=jnp.int64 if jax.config.jax_enable_x64 else jnp.int32)
    embed_table = jax.random.normal(k3, (VOCAB + 1, EMBED_DIM), dtype=jnp.float32)
    # Linear(20, 128): weight [n_out, 2*embed_dim], bias [n_out]
    W = jax.random.normal(k4, (N_OUT, 2 * EMBED_DIM), dtype=jnp.float32) * (1.0 / np.sqrt(2 * EMBED_DIM))
    b = jax.random.normal(k5, (N_OUT,), dtype=jnp.float32) * 0.01
    return {"input1": input1, "input2": input2, "embed_table": embed_table, "W": W, "b": b}

def reference(input1, input2, embed_table, W, b):
    out1 = jnp.take(embed_table, input1, axis=0)   # [B, 10]
    out2 = jnp.take(embed_table, input2, axis=0)   # [B, 10]
    out = jnp.concatenate([out1, out2], axis=-1)   # [B, 20]
    return out @ W.T + b                            # [B, 128]

if __name__ == "__main__":
    import jax
    _d = setup_inputs()
    print(jax.jit(kernel)(*tuple(_d.values())))

</pallas_src>

<mosaic_0001>
#map = affine_map<(d0, d1) -> (0, 0)>
#map1 = affine_map<(d0, d1) -> (0)>
module attributes {stable_mosaic.version = 14 : i64} {
  func.func @gather_kernel(%arg0: i32, %arg1: i32, %arg2: memref<32x1024xi32, #tpu.memory_space<hbm>>, %arg3: memref<8000512xf32, #tpu.memory_space<hbm>>, %arg4: memref<2000896xf32, #tpu.memory_space<hbm>>, %arg5: memref<524288xf32, #tpu.memory_space<hbm>>, %arg6: memref<1024xi32, #tpu.memory_space<vmem>>, %arg7: memref<10240xi32, #tpu.memory_space<vmem>>, %arg8: memref<10240xf32, #tpu.memory_space<vmem>>, %arg9: memref<16384xf32, #tpu.memory_space<vmem>>, %arg10: memref<10x!tpu.dma_semaphore, #tpu.memory_space<semaphore_mem>>, %arg11: memref<!tpu.dma_semaphore, #tpu.memory_space<semaphore_mem>>) attributes {dimension_semantics = [#tpu.dimension_semantics<core_parallel>, #tpu.dimension_semantics<subcore_parallel>], iteration_bounds = array<i64: 2, 16>, scalar_prefetch = 0 : i64, scratch_operands = 6 : i64, tpu.core_type = #tpu.core_type<sc_vector_subcore>, window_params = [{transform_indices = #map}, {transform_indices = #map1}, {transform_indices = #map1}, {transform_indices = #map1}]} {
    %mul3A = arith.constant 2 : i32
    %mul3A_0 = arith.muli %arg1, %mul3A : i32
    %add3A = arith.addi %mul3A_0, %arg0 : i32
    "tpu.region"() ({
      %run_scoped3A = tpu.sem_alloc : memref<!tpu.dma_semaphore, #tpu.memory_space<semaphore_mem>>
      %dma_start3A_209 = arith.constant 0 : i32
      %dma_start3A_210 = tpu.memref_slice %arg2[%add3A, %dma_start3A_209] : memref<32x1024xi32, #tpu.memory_space<hbm>> -> memref<1x1024xi32, #tpu.memory_space<hbm>>
      %dma_start3A_211 = tpu.memref_squeeze %dma_start3A_210 : memref<1x1024xi32, #tpu.memory_space<hbm>> -> memref<1024xi32, #tpu.memory_space<hbm>>
      %dma_start3A_212 = arith.constant 0 : i32
      %dma_start3A_213 = tpu.memref_slice %arg2[%add3A, %dma_start3A_212] : memref<32x1024xi32, #tpu.memory_space<hbm>> -> memref<1x1024xi32, #tpu.memory_space<hbm>>
      %dma_start3A_214 = tpu.memref_squeeze %dma_start3A_213 : memref<1x1024xi32, #tpu.memory_space<hbm>> -> memref<1024xi32, #tpu.memory_space<hbm>>
      tpu.enqueue_dma source(%dma_start3A_214 : memref<1024xi32, #tpu.memory_space<hbm>>) target(%arg6 : memref<1024xi32, #tpu.memory_space<vmem>>) target_semaphore(%run_scoped3A : memref<!tpu.dma_semaphore, #tpu.memory_space<semaphore_mem>>)
      %dma_wait3A_215 = arith.constant 0 : i32
      %dma_wait3A_216 = tpu.memref_slice %arg2[%add3A, %dma_wait3A_215] : memref<32x1024xi32, #tpu.memory_space<hbm>> -> memref<1x1024xi32, #tpu.memory_space<hbm>>
      %dma_wait3A_217 = tpu.memref_squeeze %dma_wait3A_216 : memref<1x1024xi32, #tpu.memory_space<hbm>> -> memref<1024xi32, #tpu.memory_space<hbm>>
      %dma_wait3A_218 = arith.constant 0 : i32
      %dma_wait3A_219 = tpu.memref_slice %arg2[%add3A, %dma_wait3A_218] : memref<32x1024xi32, #tpu.memory_space<hbm>> -> memref<1x1024xi32, #tpu.memory_space<hbm>>
      %dma_wait3A_220 = tpu.memref_squeeze %dma_wait3A_219 : memref<1x1024xi32, #tpu.memory_space<hbm>> -> memref<1024xi32, #tpu.memory_space<hbm>>
      tpu.wait_dma2 semaphore(%run_scoped3A : memref<!tpu.dma_semaphore, #tpu.memory_space<semaphore_mem>>) src(%dma_wait3A_220 : memref<1024xi32, #tpu.memory_space<hbm>>) dst(%arg6 : memref<1024xi32, #tpu.memory_space<vmem>>)
      tpu.yield
    }) : () -> ()
    %scan3A = arith.constant 0 : i32
    %scan3A_1 = arith.constant 0 : i32
    %scan3A_2 = arith.constant 64 : i32
    %scan3A_3 = arith.addi %scan3A_1, %scan3A_2 : i32
    %scan3A_4 = arith.constant 1 : i32
    %scan3A_5 = scf.for %scan3A_209 = %scan3A_1 to %scan3A_3 step %scan3A_4 iter_args(%scan3A_210 = %scan3A) -> (i32)  : i32 {
      %mul3A_211 = arith.constant 16 : i32
      %mul3A_212 = arith.muli %scan3A_209, %mul3A_211 : i32
      %get3A = arith.index_cast %mul3A_212 : i32 to index
      %get3A_213 = tpu.vector_load %arg6[%get3A] {strides = array<i32>} : memref<1024xi32, #tpu.memory_space<vmem>>, vector<16xi32>,
      %shift_right_logical3A = arith.constant 7 : i32
      %shift_right_logical3A_214 = vector.broadcast %shift_right_logical3A : i32 to vector<16xi32>
      %shift_right_logical3A_215 = arith.shrui %get3A_213, %shift_right_logical3A_214 : vector<16xi32>
      %and3A = arith.constant 127 : i32
      %and3A_216 = vector.broadcast %and3A : i32 to vector<16xi32>
      %and3A_217 = arith.andi %get3A_213, %and3A_216 : vector<16xi32>
      %mul3A_218 = arith.constant 1024 : i32
      %mul3A_219 = vector.broadcast %mul3A_218 : i32 to vector<16xi32>
      %mul3A_220 = arith.muli %shift_right_logical3A_215, %mul3A_219 : vector<16xi32>
      %add3A_221 = arith.addi %mul3A_220, %and3A_217 : vector<16xi32>
      %mul3A_222 = arith.constant 256 : i32
      %mul3A_223 = vector.broadcast %mul3A_222 : i32 to vector<16xi32>
      %mul3A_224 = arith.muli %shift_right_logical3A_215, %mul3A_223 : vector<16xi32>
      %add3A_225 = arith.addi %mul3A_224, %and3A_217 : vector<16xi32>
      %add3A_226 = arith.constant 0 : i32
      %add3A_227 = vector.broadcast %add3A_226 : i32 to vector<16xi32>
      %add3A_228 = arith.addi %add3A_221, %add3A_227 : vector<16xi32>
      %mul3A_229 = arith.constant 16 : i32
      %mul3A_230 = arith.muli %scan3A_209, %mul3A_229 : i32
      %add3A_231 = arith.constant 0 : i32
      %add3A_232 = arith.addi %add3A_231, %mul3A_230 : i32
      %swap3A = arith.index_cast %add3A_232 : i32 to index
      %swap3A_233 = tpu.vector_load %arg7[%swap3A] {strides = array<i32>} : memref<10240xi32, #tpu.memory_space<vmem>>, vector<16xi32>,
      tpu.vector_store %arg7[%swap3A], %add3A_228 {strides = array<i32>} : memref<10240xi32, #tpu.memory_space<vmem>>, vector<16xi32>,
      %add3A_234 = arith.constant 128 : i32
      %add3A_235 = vector.broadcast %add3A_234 : i32 to vector<16xi32>
      %add3A_236 = arith.addi %add3A_221, %add3A_235 : vector<16xi32>
      %mul3A_237 = arith.constant 16 : i32
      %mul3A_238 = arith.muli %scan3A_209, %mul3A_237 : i32
      %add3A_239 = arith.constant 1024 : i32
      %add3A_240 = arith.addi %add3A_239, %mul3A_238 : i32
      %swap3A_241 = arith.index_cast %add3A_240 : i32 to index
      %swap3A_242 = tpu.vector_load %arg7[%swap3A_241] {strides = array<i32>} : memref<10240xi32, #tpu.memory_space<vmem>>, vector<16xi32>,
      tpu.vector_store %arg7[%swap3A_241], %add3A_236 {strides = array<i32>} : memref<10240xi32, #tpu.memory_space<vmem>>, vector<16xi32>,
      %add3A_243 = arith.constant 256 : i32
      %add3A_244 = vector.broadcast %add3A_243 : i32 to vector<16xi32>
      %add3A_245 = arith.addi %add3A_221, %add3A_244 : vector<16xi32>
      %mul3A_246 = arith.constant 16 : i32
      %mul3A_247 = arith.muli %scan3A_209, %mul3A_246 : i32
      %add3A_248 = arith.constant 2048 : i32
      %add3A_249 = arith.addi %add3A_248, %mul3A_247 : i32
      %swap3A_250 = arith.index_cast %add3A_249 : i32 to index
      %swap3A_251 = tpu.vector_load %arg7[%swap3A_250] {strides = array<i32>} : memref<10240xi32, #tpu.memory_space<vmem>>, vector<16xi32>,
      tpu.vector_store %arg7[%swap3A_250], %add3A_245 {strides = array<i32>} : memref<10240xi32, #tpu.memory_space<vmem>>, vector<16xi32>,
      %add3A_252 = arith.constant 384 : i32
      %add3A_253 = vector.broadcast %add3A_252 : i32 to vector<16xi32>
      %add3A_254 = arith.addi %add3A_221, %add3A_253 : vector<16xi32>
      %mul3A_255 = arith.constant 16 : i32
      %mul3A_256 = arith.muli %scan3A_209, %mul3A_255 : i32
      %add3A_257 = arith.constant 3072 : i32
      %add3A_258 = arith.addi %add3A_257, %mul3A_256 : i32
      %swap3A_259 = arith.index_cast %add3A_258 : i32 to index
      %swap3A_260 = tpu.vector_load %arg7[%swap3A_259] {strides = array<i32>} : memref<10240xi32, #tpu.memory_space<vmem>>, vector<16xi32>,
      tpu.vector_store %arg7[%swap3A_259], %add3A_254 {strides = array<i32>} : memref<10240xi32, #tpu.memory_space<vmem>>, vector<16xi32>,
      %add3A_261 = arith.constant 512 : i32
      %add3A_262 = vector.broadcast %add3A_261 : i32 to vector<16xi32>
      %add3A_263 = arith.addi %add3A_221, %add3A_262 : vector<16xi32>
      %mul3A_264 = arith.constant 16 : i32
      %mul3A_265 = arith.muli %scan3A_209, %mul3A_264 : i32
      %add3A_266 = arith.constant 4096 : i32
      %add3A_267 = arith.addi %add3A_266, %mul3A_265 : i32
      %swap3A_268 = arith.index_cast %add3A_267 : i32 to index
      %swap3A_269 = tpu.vector_load %arg7[%swap3A_268] {strides = array<i32>} : memref<10240xi32, #tpu.memory_space<vmem>>, vector<16xi32>,
      tpu.vector_store %arg7[%swap3A_268], %add3A_263 {strides = array<i32>} : memref<10240xi32, #tpu.memory_space<vmem>>, vector<16xi32>,
      %add3A_270 = arith.constant 640 : i32
      %add3A_271 = vector.broadcast %add3A_270 : i32 to vector<16xi32>
      %add3A_272 = arith.addi %add3A_221, %add3A_271 : vector<16xi32>
      %mul3A_273 = arith.constant 16 : i32
      %mul3A_274 = arith.muli %scan3A_209, %mul3A_273 : i32
      %add3A_275 = arith.constant 5120 : i32
      %add3A_276 = arith.addi %add3A_275, %mul3A_274 : i32
      %swap3A_277 = arith.index_cast %add3A_276 : i32 to index
      %swap3A_278 = tpu.vector_load %arg7[%swap3A_277] {strides = array<i32>} : memref<10240xi32, #tpu.memory_space<vmem>>, vector<16xi32>,
      tpu.vector_store %arg7[%swap3A_277], %add3A_272 {strides = array<i32>} : memref<10240xi32, #tpu.memory_space<vmem>>, vector<16xi32>,
      %add3A_279 = arith.constant 768 : i32
      %add3A_280 = vector.broadcast %add3A_279 : i32 to vector<16xi32>
      %add3A_281 = arith.addi %add3A_221, %add3A_280 : vector<16xi32>
      %mul3A_282 = arith.constant 16 : i32
      %mul3A_283 = arith.muli %scan3A_209, %mul3A_282 : i32
      %add3A_284 = arith.constant 6144 : i32
      %add3A_285 = arith.addi %add3A_284, %mul3A_283 : i32
      %swap3A_286 = arith.index_cast %add3A_285 : i32 to index
      %swap3A_287 = tpu.vector_load %arg7[%swap3A_286] {strides = array<i32>} : memref<10240xi32, #tpu.memory_space<vmem>>, vector<16xi32>,
      tpu.vector_store %arg7[%swap3A_286], %add3A_281 {strides = array<i32>} : memref<10240xi32, #tpu.memory_space<vmem>>, vector<16xi32>,
      %add3A_288 = arith.constant 896 : i32
      %add3A_289 = vector.broadcast %add3A_288 : i32 to vector<16xi32>
      %add3A_290 = arith.addi %add3A_221, %add3A_289 : vector<16xi32>
      %mul3A_291 = arith.constant 16 : i32
      %mul3A_292 = arith.muli %scan3A_209, %mul3A_291 : i32
      %add3A_293 = arith.constant 7168 : i32
      %add3A_294 = arith.addi %add3A_293, %mul3A_292 : i32
      %swap3A_295 = arith.index_cast %add3A_294 : i32 to index
      %swap3A_296 = tpu.vector_load %arg7[%swap3A_295] {strides = array<i32>} : memref<10240xi32, #tpu.memory_space<vmem>>, vector<16xi32>,
      tpu.vector_store %arg7[%swap3A_295], %add3A_290 {strides = array<i32>} : memref<10240xi32, #tpu.memory_space<vmem>>, vector<16xi32>,
      %add3A_297 = arith.constant 0 : i32
      %add3A_298 = vector.broadcast %add3A_297 : i32 to vector<16xi32>
      %add3A_299 = arith.addi %add3A_225, %add3A_298 : vector<16xi32>
      %mul3A_300 = arith.constant 16 : i32
      %mul3A_301 = arith.muli %scan3A_209, %mul3A_300 : i32
      %add3A_302 = arith.constant 8192 : i32
      %add3A_303 = arith.addi %add3A_302, %mul3A_301 : i32
      %swap3A_304 = arith.index_cast %add3A_303 : i32 to index
      %swap3A_305 = tpu.vector_load %arg7[%swap3A_304] {strides = array<i32>} : memref<10240xi32, #tpu.memory_space<vmem>>, vector<16xi32>,
      tpu.vector_store %arg7[%swap3A_304], %add3A_299 {strides = array<i32>} : memref<10240xi32, #tpu.memory_space<vmem>>, vector<16xi32>,
      %add3A_306 = arith.constant 128 : i32
      %add3A_307 = vector.broadcast %add3A_306 : i32 to vector<16xi32>
      %add3A_308 = arith.addi %add3A_225, %add3A_307 : vector<16xi32>
      %mul3A_309 = arith.constant 16 : i32
      %mul3A_310 = arith.muli %scan3A_209, %mul3A_309 : i32
      %add3A_311 = arith.constant 9216 : i32
      %add3A_312 = arith.addi %add3A_311, %mul3A_310 : i32
      %swap3A_313 = arith.index_cast %add3A_312 : i32 to index
      %swap3A_314 = tpu.vector_load %arg7[%swap3A_313] {strides = array<i32>} : memref<10240xi32, #tpu.memory_space<vmem>>, vector<16xi32>,
      tpu.vector_store %arg7[%swap3A_313], %add3A_308 {strides = array<i32>} : memref<10240xi32, #tpu.memory_space<vmem>>, vector<16xi32>,
      %scan3A_315 = arith.constant 0 : i32
      scf.yield %scan3A_315 : i32
    }
    %scan3A_6 = arith.constant 64 : i32
    %scan3A_7 = arith.constant 0 : i32
    %scan3A_8 = arith.constant 0 : i32
    %scan3A_9 = arith.constant 8 : i32
    %scan3A_10 = arith.addi %scan3A_8, %scan3A_9 : i32
    %scan3A_11 = arith.constant 1 : i32
    %scan3A_12 = scf.for %scan3A_209 = %scan3A_8 to %scan3A_10 step %scan3A_11 iter_args(%scan3A_210 = %scan3A_7) -> (i32)  : i32 {
      %add3A_211 = arith.constant 0 : i32
      %add3A_212 = arith.addi %add3A_211, %scan3A_209 : i32
      %mul3A_213 = arith.constant 128 : i32
      %mul3A_214 = arith.muli %add3A_212, %mul3A_213 : i32
      %add3A_215 = arith.constant 0 : i32
      %add3A_216 = arith.addi %add3A_215, %scan3A_209 : i32
      %mul3A_217 = arith.constant 128 : i32
      %mul3A_218 = arith.muli %add3A_216, %mul3A_217 : i32
      %dma_start3A_219 = arith.constant 0 : i32
      %dma_start3A_220 = tpu.memref_slice %arg8[%mul3A_218] : memref<10240xf32, #tpu.memory_space<vmem>> -> memref<128xf32, #tpu.memory_space<vmem>>
      %dma_start3A_221 = tpu.memref_slice %arg7[%mul3A_214] : memref<10240xi32, #tpu.memory_space<vmem>> -> memref<128xi32, #tpu.memory_space<vmem>>
      %dma_start3A_222 = arith.constant 0 : i32
      %dma_start3A_223 = tpu.memref_slice %arg3[%dma_start3A_222] : memref<8000512xf32, #tpu.memory_space<hbm>> -> memref<8000512xf32, #tpu.memory_space<hbm>>
      %dma_start3A_224 = tpu.memref_slice %arg10[%dma_start3A_219] : memref<10x!tpu.dma_semaphore, #tpu.memory_space<semaphore_mem>> -> memref<1x!tpu.dma_semaphore, #tpu.memory_space<semaphore_mem>>
      %dma_start3A_225 = tpu.memref_squeeze %dma_start3A_224 : memref<1x!tpu.dma_semaphore, #tpu.memory_space<semaphore_mem>> -> memref<!tpu.dma_semaphore, #tpu.memory_space<semaphore_mem>>
      tpu.enqueue_indirect_dma source(%dma_start3A_223 : memref<8000512xf32, #tpu.memory_space<hbm>>) target(%dma_start3A_220 : memref<128xf32, #tpu.memory_space<vmem>>) offsets(%dma_start3A_221 : memref<128xi32, #tpu.memory_space<vmem>>) semaphore(%dma_start3A_225 : memref<!tpu.dma_semaphore, #tpu.memory_space<semaphore_mem>>)
      %add3A_226 = arith.constant 8 : i32
      %add3A_227 = arith.addi %add3A_226, %scan3A_209 : i32
      %mul3A_228 = arith.constant 128 : i32
      %mul3A_229 = arith.muli %add3A_227, %mul3A_228 : i32
      %add3A_230 = arith.constant 8 : i32
      %add3A_231 = arith.addi %add3A_230, %scan3A_209 : i32
      %mul3A_232 = arith.constant 128 : i32
      %mul3A_233 = arith.muli %add3A_231, %mul3A_232 : i32
      %dma_start3A_234 = arith.constant 1 : i32
      %dma_start3A_235 = tpu.memref_slice %arg8[%mul3A_233] : memref<10240xf32, #tpu.memory_space<vmem>> -> memref<128xf32, #tpu.memory_space<vmem>>
      %dma_start3A_236 = tpu.memref_slice %arg7[%mul3A_229] : memref<10240xi32, #tpu.memory_space<vmem>> -> memref<128xi32, #tpu.memory_space<vmem>>
      %dma_start3A_237 = arith.constant 0 : i32
      %dma_start3A_238 = tpu.memref_slice %arg3[%dma_start3A_237] : memref<8000512xf32, #tpu.memory_space<hbm>> -> memref<8000512xf32, #tpu.memory_space<hbm>>
      %dma_start3A_239 = tpu.memref_slice %arg10[%dma_start3A_234] : memref<10x!tpu.dma_semaphore, #tpu.memory_space<semaphore_mem>> -> memref<1x!tpu.dma_semaphore, #tpu.memory_space<semaphore_mem>>
      %dma_start3A_240 = tpu.memref_squeeze %dma_start3A_239 : memref<1x!tpu.dma_semaphore, #tpu.memory_space<semaphore_mem>> -> memref<!tpu.dma_semaphore, #tpu.memory_space<semaphore_mem>>
      tpu.enqueue_indirect_dma source(%dma_start3A_238 : memref<8000512xf32, #tpu.memory_space<hbm>>) target(%dma_start3A_235 : memref<128xf32, #tpu.memory_space<vmem>>) offsets(%dma_start3A_236 : memref<128xi32, #tpu.memory_space<vmem>>) semaphore(%dma_start3A_240 : memref<!tpu.dma_semaphore, #tpu.memory_space<semaphore_mem>>)
      %add3A_241 = arith.constant 16 : i32
      %add3A_242 = arith.addi %add3A_241, %scan3A_209 : i32
      %mul3A_243 = arith.constant 128 : i32
      %mul3A_244 = arith.muli %add3A_242, %mul3A_243 : i32
      %add3A_245 = arith.constant 16 : i32
      %add3A_246 = arith.addi %add3A_245, %scan3A_209 : i32
      %mul3A_247 = arith.constant 128 : i32
      %mul3A_248 = arith.muli %add3A_246, %mul3A_247 : i32
      %dma_start3A_249 = arith.constant 2 : i32
      %dma_start3A_250 = tpu.memref_slice %arg8[%mul3A_248] : memref<10240xf32, #tpu.memory_space<vmem>> -> memref<128xf32, #tpu.memory_space<vmem>>
      %dma_start3A_251 = tpu.memref_slice %arg7[%mul3A_244] : memref<10240xi32, #tpu.memory_space<vmem>> -> memref<128xi32, #tpu.memory_space<vmem>>
      %dma_start3A_252 = arith.constant 0 : i32
      %dma_start3A_253 = tpu.memref_slice %arg3[%dma_start3A_252] : memref<8000512xf32, #tpu.memory_space<hbm>> -> memref<8000512xf32, #tpu.memory_space<hbm>>
      %dma_start3A_254 = tpu.memref_slice %arg10[%dma_start3A_249] : memref<10x!tpu.dma_semaphore, #tpu.memory_space<semaphore_mem>> -> memref<1x!tpu.dma_semaphore, #tpu.memory_space<semaphore_mem>>
      %dma_start3A_255 = tpu.memref_squeeze %dma_start3A_254 : memref<1x!tpu.dma_semaphore, #tpu.memory_space<semaphore_mem>> -> memref<!tpu.dma_semaphore, #tpu.memory_space<semaphore_mem>>
      tpu.enqueue_indirect_dma source(%dma_start3A_253 : memref<8000512xf32, #tpu.memory_space<hbm>>) target(%dma_start3A_250 : memref<128xf32, #tpu.memory_space<vmem>>) offsets(%dma_start3A_251 : memref<128xi32, #tpu.memory_space<vmem>>) semaphore(%dma_start3A_255 : memref<!tpu.dma_semaphore, #tpu.memory_space<semaphore_mem>>)
      %add3A_256 = arith.constant 24 : i32
      %add3A_257 = arith.addi %add3A_256, %scan3A_209 : i32
      %mul3A_258 = arith.constant 128 : i32
      %mul3A_259 = arith.muli %add3A_257, %mul3A_258 : i32
      %add3A_260 = arith.constant 24 : i32
      %add3A_261 = arith.addi %add3A_260, %scan3A_209 : i32
      %mul3A_262 = arith.constant 128 : i32
      %mul3A_263 = arith.muli %add3A_261, %mul3A_262 : i32
      %dma_start3A_264 = arith.constant 3 : i32
      %dma_start3A_265 = tpu.memref_slice %arg8[%mul3A_263] : memref<10240xf32, #tpu.memory_space<vmem>> -> memref<128xf32, #tpu.memory_space<vmem>>
      %dma_start3A_266 = tpu.memref_slice %arg7[%mul3A_259] : memref<10240xi32, #tpu.memory_space<vmem>> -> memref<128xi32, #tpu.memory_space<vmem>>
      %dma_start3A_267 = arith.constant 0 : i32
      %dma_start3A_268 = tpu.memref_slice %arg3[%dma_start3A_267] : memref<8000512xf32, #tpu.memory_space<hbm>> -> memref<8000512xf32, #tpu.memory_space<hbm>>
      %dma_start3A_269 = tpu.memref_slice %arg10[%dma_start3A_264] : memref<10x!tpu.dma_semaphore, #tpu.memory_space<semaphore_mem>> -> memref<1x!tpu.dma_semaphore, #tpu.memory_space<semaphore_mem>>
      %dma_start3A_270 = tpu.memref_squeeze %dma_start3A_269 : memref<1x!tpu.dma_semaphore, #tpu.memory_space<semaphore_mem>> -> memref<!tpu.dma_semaphore, #tpu.memory_space<semaphore_mem>>
      tpu.enqueue_indirect_dma source(%dma_start3A_268 : memref<8000512xf32, #tpu.memory_space<hbm>>) target(%dma_start3A_265 : memref<128xf32, #tpu.memory_space<vmem>>) offsets(%dma_start3A_266 : memref<128xi32, #tpu.memory_space<vmem>>) semaphore(%dma_start3A_270 : memref<!tpu.dma_semaphore, #tpu.memory_space<semaphore_mem>>)
      %add3A_271 = arith.constant 32 : i32
      %add3A_272 = arith.addi %add3A_271, %scan3A_209 : i32
      %mul3A_273 = arith.constant 128 : i32
      %mul3A_274 = arith.muli %add3A_272, %mul3A_273 : i32
      %add3A_275 = arith.constant 32 : i32
      %add3A_276 = arith.addi %add3A_275, %scan3A_209 : i32
      %mul3A_277 = arith.constant 128 : i32
      %mul3A_278 = arith.muli %add3A_276, %mul3A_277 : i32
      %dma_start3A_279 = arith.constant 4 : i32
      %dma_start3A_280 = tpu.memref_slice %arg8[%mul3A_278] : memref<10240xf32, #tpu.memory_space<vmem>> -> memref<128xf32, #tpu.memory_space<vmem>>
      %dma_start3A_281 = tpu.memref_slice %arg7[%mul3A_274] : memref<10240xi32, #tpu.memory_space<vmem>> -> memref<128xi32, #tpu.memory_space<vmem>>
      %dma_start3A_282 = arith.constant 0 : i32
      %dma_start3A_283 = tpu.memref_slice %arg3[%dma_start3A_282] : memref<8000512xf32, #tpu.memory_space<hbm>> -> memref<8000512xf32, #tpu.memory_space<hbm>>
      %dma_start3A_284 = tpu.memref_slice %arg10[%dma_start3A_279] : memref<10x!tpu.dma_semaphore, #tpu.memory_space<semaphore_mem>> -> memref<1x!tpu.dma_semaphore, #tpu.memory_space<semaphore_mem>>
      %dma_start3A_285 = tpu.memref_squeeze %dma_start3A_284 : memref<1x!tpu.dma_semaphore, #tpu.memory_space<semaphore_mem>> -> memref<!tpu.dma_semaphore, #tpu.memory_space<semaphore_mem>>
      tpu.enqueue_indirect_dma source(%dma_start3A_283 : memref<8000512xf32, #tpu.memory_space<hbm>>) target(%dma_start3A_280 : memref<128xf32, #tpu.memory_space<vmem>>) offsets(%dma_start3A_281 : memref<128xi32, #tpu.memory_space<vmem>>) semaphore(%dma_start3A_285 : memref<!tpu.dma_semaphore, #tpu.memory_space<semaphore_mem>>)
      %add3A_286 = arith.constant 40 : i32
      %add3A_287 = arith.addi %add3A_286, %scan3A_209 : i32
      %mul3A_288 = arith.constant 128 : i32
      %mul3A_289 = arith.muli %add3A_287, %mul3A_288 : i32
      %add3A_290 = arith.constant 40 : i32
      %add3A_291 = arith.addi %add3A_290, %scan3A_209 : i32
      %mul3A_292 = arith.constant 128 : i32
      %mul3A_293 = arith.muli %add3A_291, %mul3A_292 : i32
      %dma_start3A_294 = arith.constant 5 : i32
      %dma_start3A_295 = tpu.memref_slice %arg8[%mul3A_293] : memref<10240xf32, #tpu.memory_space<vmem>> -> memref<128xf32, #tpu.memory_space<vmem>>
      %dma_start3A_296 = tpu.memref_slice %arg7[%mul3A_289] : memref<10240xi32, #tpu.memory_space<vmem>> -> memref<128xi32, #tpu.memory_space<vmem>>
      %dma_start3A_297 = arith.constant 0 : i32
      %dma_start3A_298 = tpu.memref_slice %arg3[%dma_start3A_297] : memref<8000512xf32, #tpu.memory_space<hbm>> -> memref<8000512xf32, #tpu.memory_space<hbm>>
      %dma_start3A_299 = tpu.memref_slice %arg10[%dma_start3A_294] : memref<10x!tpu.dma_semaphore, #tpu.memory_space<semaphore_mem>> -> memref<1x!tpu.dma_semaphore, #tpu.memory_space<semaphore_mem>>
      %dma_start3A_300 = tpu.memref_squeeze %dma_start3A_299 : memref<1x!tpu.dma_semaphore, #tpu.memory_space<semaphore_mem>> -> memref<!tpu.dma_semaphore, #tpu.memory_space<semaphore_mem>>
      tpu.enqueue_indirect_dma source(%dma_start3A_298 : memref<8000512xf32, #tpu.memory_space<hbm>>) target(%dma_start3A_295 : memref<128xf32, #tpu.memory_space<vmem>>) offsets(%dma_start3A_296 : memref<128xi32, #tpu.memory_space<vmem>>) semaphore(%dma_start3A_300 : memref<!tpu.dma_semaphore, #tpu.memory_space<semaphore_mem>>)
      %add3A_301 = arith.constant 48 : i32
      %add3A_302 = arith.addi %add3A_301, %scan3A_209 : i32
      %mul3A_303 = arith.constant 128 : i32
      %mul3A_304 = arith.muli %add3A_302, %mul3A_303 : i32
      %add3A_305 = arith.constant 48 : i32
      %add3A_306 = arith.addi %add3A_305, %scan3A_209 : i32
      %mul3A_307 = arith.constant 128 : i32
      %mul3A_308 = arith.muli %add3A_306, %mul3A_307 : i32
      %dma_start3A_309 = arith.constant 6 : i32
      %dma_start3A_310 = tpu.memref_slice %arg8[%mul3A_308] : memref<10240xf32, #tpu.memory_space<vmem>> -> memref<128xf32, #tpu.memory_space<vmem>>
      %dma_start3A_311 = tpu.memref_slice %arg7[%mul3A_304] : memref<10240xi32, #tpu.memory_space<vmem>> -> memref<128xi32, #tpu.memory_space<vmem>>
      %dma_start3A_312 = arith.constant 0 : i32
      %dma_start3A_313 = tpu.memref_slice %arg3[%dma_start3A_312] : memref<8000512xf32, #tpu.memory_space<hbm>> -> memref<8000512xf32, #tpu.memory_space<hbm>>
      %dma_start3A_314 = tpu.memref_slice %arg10[%dma_start3A_309] : memref<10x!tpu.dma_semaphore, #tpu.memory_space<semaphore_mem>> -> memref<1x!tpu.dma_semaphore, #tpu.memory_space<semaphore_mem>>
      %dma_start3A_315 = tpu.memref_squeeze %dma_start3A_314 : memref<1x!tpu.dma_semaphore, #tpu.memory_space<semaphore_mem>> -> memref<!tpu.dma_semaphore, #tpu.memory_space<semaphore_mem>>
      tpu.enqueue_indirect_dma source(%dma_start3A_313 : memref<8000512xf32, #tpu.memory_space<hbm>>) target(%dma_start3A_310 : memref<128xf32, #tpu.memory_space<vmem>>) offsets(%dma_start3A_311 : memref<128xi32, #tpu.memory_space<vmem>>) semaphore(%dma_start3A_315 : memref<!tpu.dma_semaphore, #tpu.memory_space<semaphore_mem>>)
      %add3A_316 = arith.constant 56 : i32
      %add3A_317 = arith.addi %add3A_316, %scan3A_209 : i32
      %mul3A_318 = arith.constant 128 : i32
      %mul3A_319 = arith.muli %add3A_317, %mul3A_318 : i32
      %add3A_320 = arith.constant 56 : i32
      %add3A_321 = arith.addi %add3A_320, %scan3A_209 : i32
      %mul3A_322 = arith.constant 128 : i32
      %mul3A_323 = arith.muli %add3A_321, %mul3A_322 : i32
      %dma_start3A_324 = arith.constant 7 : i32
      %dma_start3A_325 = tpu.memref_slice %arg8[%mul3A_323] : memref<10240xf32, #tpu.memory_space<vmem>> -> memref<128xf32, #tpu.memory_space<vmem>>
      %dma_start3A_326 = tpu.memref_slice %arg7[%mul3A_319] : memref<10240xi32, #tpu.memory_space<vmem>> -> memref<128xi32, #tpu.memory_space<vmem>>
      %dma_start3A_327 = arith.constant 0 : i32
      %dma_start3A_328 = tpu.memref_slice %arg3[%dma_start3A_327] : memref<8000512xf32, #tpu.memory_space<hbm>> -> memref<8000512xf32, #tpu.memory_space<hbm>>
      %dma_start3A_329 = tpu.memref_slice %arg10[%dma_start3A_324] : memref<10x!tpu.dma_semaphore, #tpu.memory_space<semaphore_mem>> -> memref<1x!tpu.dma_semaphore, #tpu.memory_space<semaphore_mem>>
      %dma_start3A_330 = tpu.memref_squeeze %dma_start3A_329 : memref<1x!tpu.dma_semaphore, #tpu.memory_space<semaphore_mem>> -> memref<!tpu.dma_semaphore, #tpu.memory_space<semaphore_mem>>
      tpu.enqueue_indirect_dma source(%dma_start3A_328 : memref<8000512xf32, #tpu.memory_space<hbm>>) target(%dma_start3A_325 : memref<128xf32, #tpu.memory_space<vmem>>) offsets(%dma_start3A_326 : memref<128xi32, #tpu.memory_space<vmem>>) semaphore(%dma_start3A_330 : memref<!tpu.dma_semaphore, #tpu.memory_space<semaphore_mem>>)
      %add3A_331 = arith.constant 64 : i32
      %add3A_332 = arith.addi %add3A_331, %scan3A_209 : i32
      %mul3A_333 = arith.constant 128 : i32
      %mul3A_334 = arith.muli %add3A_332, %mul3A_333 : i32
      %add3A_335 = arith.constant 64 : i32
      %add3A_336 = arith.addi %add3A_335, %scan3A_209 : i32
      %mul3A_337 = arith.constant 128 : i32
      %mul3A_338 = arith.muli %add3A_336, %mul3A_337 : i32
      %dma_start3A_339 = arith.constant 8 : i32
      %dma_start3A_340 = tpu.memref_slice %arg8[%mul3A_338] : memref<10240xf32, #tpu.memory_space<vmem>> -> memref<128xf32, #tpu.memory_space<vmem>>
      %dma_start3A_341 = tpu.memref_slice %arg7[%mul3A_334] : memref<10240xi32, #tpu.memory_space<vmem>> -> memref<128xi32, #tpu.memory_space<vmem>>
      %dma_start3A_342 = arith.constant 0 : i32
      %dma_start3A_343 = tpu.memref_slice %arg4[%dma_start3A_342] : memref<2000896xf32, #tpu.memory_space<hbm>> -> memref<2000896xf32, #tpu.memory_space<hbm>>
      %dma_start3A_344 = tpu.memref_slice %arg10[%dma_start3A_339] : memref<10x!tpu.dma_semaphore, #tpu.memory_space<semaphore_mem>> -> memref<1x!tpu.dma_semaphore, #tpu.memory_space<semaphore_mem>>
      %dma_start3A_345 = tpu.memref_squeeze %dma_start3A_344 : memref<1x!tpu.dma_semaphore, #tpu.memory_space<semaphore_mem>> -> memref<!tpu.dma_semaphore, #tpu.memory_space<semaphore_mem>>
      tpu.enqueue_indirect_dma source(%dma_start3A_343 : memref<2000896xf32, #tpu.memory_space<hbm>>) target(%dma_start3A_340 : memref<128xf32, #tpu.memory_space<vmem>>) offsets(%dma_start3A_341 : memref<128xi32, #tpu.memory_space<vmem>>) semaphore(%dma_start3A_345 : memref<!tpu.dma_semaphore, #tpu.memory_space<semaphore_mem>>)
      %add3A_346 = arith.constant 72 : i32
      %add3A_347 = arith.addi %add3A_346, %scan3A_209 : i32
      %mul3A_348 = arith.constant 128 : i32
      %mul3A_349 = arith.muli %add3A_347, %mul3A_348 : i32
      %add3A_350 = arith.constant 72 : i32
      %add3A_351 = arith.addi %add3A_350, %scan3A_209 : i32
      %mul3A_352 = arith.constant 128 : i32
      %mul3A_353 = arith.muli %add3A_351, %mul3A_352 : i32
      %dma_start3A_354 = arith.constant 9 : i32
      %dma_start3A_355 = tpu.memref_slice %arg8[%mul3A_353] : memref<10240xf32, #tpu.memory_space<vmem>> -> memref<128xf32, #tpu.memory_space<vmem>>
      %dma_start3A_356 = tpu.memref_slice %arg7[%mul3A_349] : memref<10240xi32, #tpu.memory_space<vmem>> -> memref<128xi32, #tpu.memory_space<vmem>>
      %dma_start3A_357 = arith.constant 0 : i32
      %dma_start3A_358 = tpu.memref_slice %arg4[%dma_start3A_357] : memref<2000896xf32, #tpu.memory_space<hbm>> -> memref<2000896xf32, #tpu.memory_space<hbm>>
      %dma_start3A_359 = tpu.memref_slice %arg10[%dma_start3A_354] : memref<10x!tpu.dma_semaphore, #tpu.memory_space<semaphore_mem>> -> memref<1x!tpu.dma_semaphore, #tpu.memory_space<semaphore_mem>>
      %dma_start3A_360 = tpu.memref_squeeze %dma_start3A_359 : memref<1x!tpu.dma_semaphore, #tpu.memory_space<semaphore_mem>> -> memref<!tpu.dma_semaphore, #tpu.memory_space<semaphore_mem>>
      tpu.enqueue_indirect_dma source(%dma_start3A_358 : memref<2000896xf32, #tpu.memory_space<hbm>>) target(%dma_start3A_355 : memref<128xf32, #tpu.memory_space<vmem>>) offsets(%dma_start3A_356 : memref<128xi32, #tpu.memory_space<vmem>>) semaphore(%dma_start3A_360 : memref<!tpu.dma_semaphore, #tpu.memory_space<semaphore_mem>>)
      %scan3A_361 = arith.constant 0 : i32
      scf.yield %scan3A_361 : i32
    }
    %scan3A_13 = arith.constant 8 : i32
    %broadcast_in_dim3A = arith.constant 0.000000e+00 : f32
    %broadcast_in_dim3A_14 = vector.broadcast %broadcast_in_dim3A : f32 to vector<16xf32>
    %scan3A_15 = arith.constant 0 : i32
    %scan3A_16 = arith.constant 0 : i32
    %scan3A_17 = arith.constant 1024 : i32
    %scan3A_18 = arith.addi %scan3A_16, %scan3A_17 : i32
    %scan3A_19 = arith.constant 1 : i32
    %scan3A_20 = scf.for %scan3A_209 = %scan3A_16 to %scan3A_18 step %scan3A_19 iter_args(%scan3A_210 = %scan3A_15) -> (i32)  : i32 {
      %mul3A_211 = arith.constant 16 : i32
      %mul3A_212 = arith.muli %scan3A_209, %mul3A_211 : i32
      %swap3A = arith.index_cast %mul3A_212 : i32 to index
      %swap3A_213 = tpu.vector_load %arg9[%swap3A] {strides = array<i32>} : memref<16384xf32, #tpu.memory_space<vmem>>, vector<16xf32>,
      tpu.vector_store %arg9[%swap3A], %broadcast_in_dim3A_14 {strides = array<i32>} : memref<16384xf32, #tpu.memory_space<vmem>>, vector<16xf32>,
      %scan3A_214 = arith.constant 0 : i32
      scf.yield %scan3A_214 : i32
    }
    %scan3A_21 = arith.constant 1024 : i32
    %iota3A = tpu.iota {dimensions = array<i32: 0>} : vector<16xi32>
    %mul3A_22 = arith.constant 16 : i32
    %mul3A_23 = vector.broadcast %mul3A_22 : i32 to vector<16xi32>
    %mul3A_24 = arith.muli %iota3A, %mul3A_23 : vector<16xi32>
    %dma_wait3A = arith.constant 0 : i32
    %dma_wait3A_25 = arith.constant 0 : i32
    %dma_wait3A_26 = tpu.memref_slice %arg8[%dma_wait3A_25] : memref<10240xf32, #tpu.memory_space<vmem>> -> memref<1024xf32, #tpu.memory_space<vmem>>
    %dma_wait3A_27 = arith.constant 0 : i32
    %dma_wait3A_28 = tpu.memref_slice %arg5[%dma_wait3A_27] : memref<524288xf32, #tpu.memory_space<hbm>> -> memref<1024xf32, #tpu.memory_space<hbm>>
    %dma_wait3A_29 = tpu.memref_slice %arg10[%dma_wait3A] : memref<10x!tpu.dma_semaphore, #tpu.memory_space<semaphore_mem>> -> memref<1x!tpu.dma_semaphore, #tpu.memory_space<semaphore_mem>>
    %dma_wait3A_30 = tpu.memref_squeeze %dma_wait3A_29 : memref<1x!tpu.dma_semaphore, #tpu.memory_space<semaphore_mem>> -> memref<!tpu.dma_semaphore, #tpu.memory_space<semaphore_mem>>
    %dma_wait3A_31 = arith.constant 0 : i32
    %dma_wait3A_32 = tpu.memref_slice %arg8[%dma_wait3A_31] : memref<10240xf32, #tpu.memory_space<vmem>> -> memref<1024xf32, #tpu.memory_space<vmem>>
    %dma_wait3A_33 = arith.constant 0 : i32
    %dma_wait3A_34 = tpu.memref_slice %arg5[%dma_wait3A_33] : memref<524288xf32, #tpu.memory_space<hbm>> -> memref<1024xf32, #tpu.memory_space<hbm>>
    tpu.wait_dma2 semaphore(%dma_wait3A_30 : memref<!tpu.dma_semaphore, #tpu.memory_space<semaphore_mem>>) src(%dma_wait3A_34 : memref<1024xf32, #tpu.memory_space<hbm>>) dst(%dma_wait3A_32 : memref<1024xf32, #tpu.memory_space<vmem>>)
    %scan3A_35 = arith.constant 0 : i32
    %scan3A_36 = arith.constant 0 : i32
    %scan3A_37 = arith.constant 64 : i32
    %scan3A_38 = arith.addi %scan3A_36, %scan3A_37 : i32
    %scan3A_39 = arith.constant 1 : i32
    %scan3A_40 = scf.for %scan3A_209 = %scan3A_36 to %scan3A_38 step %scan3A_39 iter_args(%scan3A_210 = %scan3A_35) -> (i32)  : i32 {
      %mul3A_211 = arith.constant 16 : i32
      %mul3A_212 = arith.muli %scan3A_209, %mul3A_211 : i32
      %add3A_213 = arith.constant 0 : i32
      %add3A_214 = arith.addi %add3A_213, %mul3A_212 : i32
      %get3A = arith.index_cast %add3A_214 : i32 to index
      %get3A_215 = tpu.vector_load %arg8[%get3A] {strides = array<i32>} : memref<10240xf32, #tpu.memory_space<vmem>>, vector<16xf32>,
      %mul3A_216 = arith.constant 256 : i32
      %mul3A_217 = arith.muli %scan3A_209, %mul3A_216 : i32
      %add3A_218 = arith.constant 0 : i32
      %add3A_219 = arith.addi %mul3A_217, %add3A_218 : i32
      %add3A_220 = vector.broadcast %add3A_219 : i32 to vector<16xi32>
      %add3A_221 = arith.addi %mul3A_24, %add3A_220 : vector<16xi32>
      tpu.vector_store_idx %arg9[%add3A_221], %get3A_215 : memref<16384xf32, #tpu.memory_space<vmem>>[vector<16xi32>], vector<16xf32>,
      %scan3A_222 = arith.constant 0 : i32
      scf.yield %scan3A_222 : i32
    }
    %scan3A_41 = arith.constant 64 : i32
    %dma_wait3A_42 = arith.constant 1 : i32
    %dma_wait3A_43 = arith.constant 1024 : i32
    %dma_wait3A_44 = tpu.memref_slice %arg8[%dma_wait3A_43] : memref<10240xf32, #tpu.memory_space<vmem>> -> memref<1024xf32, #tpu.memory_space<vmem>>
    %dma_wait3A_45 = arith.constant 0 : i32
    %dma_wait3A_46 = tpu.memref_slice %arg5[%dma_wait3A_45] : memref<524288xf32, #tpu.memory_space<hbm>> -> memref<1024xf32, #tpu.memory_space<hbm>>
    %dma_wait3A_47 = tpu.memref_slice %arg10[%dma_wait3A_42] : memref<10x!tpu.dma_semaphore, #tpu.memory_space<semaphore_mem>> -> memref<1x!tpu.dma_semaphore, #tpu.memory_space<semaphore_mem>>
    %dma_wait3A_48 = tpu.memref_squeeze %dma_wait3A_47 : memref<1x!tpu.dma_semaphore, #tpu.memory_space<semaphore_mem>> -> memref<!tpu.dma_semaphore, #tpu.memory_space<semaphore_mem>>
    %dma_wait3A_49 = arith.constant 1024 : i32
    %dma_wait3A_50 = tpu.memref_slice %arg8[%dma_wait3A_49] : memref<10240xf32, #tpu.memory_space<vmem>> -> memref<1024xf32, #tpu.memory_space<vmem>>
    %dma_wait3A_51 = arith.constant 0 : i32
    %dma_wait3A_52 = tpu.memref_slice %arg5[%dma_wait3A_51] : memref<524288xf32, #tpu.memory_space<hbm>> -> memref<1024xf32, #tpu.memory_space<hbm>>
    tpu.wait_dma2 semaphore(%dma_wait3A_48 : memref<!tpu.dma_semaphore, #tpu.memory_space<semaphore_mem>>) src(%dma_wait3A_52 : memref<1024xf32, #tpu.memory_space<hbm>>) dst(%dma_wait3A_50 : memref<1024xf32, #tpu.memory_space<vmem>>)
    %scan3A_53 = arith.constant 0 : i32
    %scan3A_54 = arith.constant 0 : i32
    %scan3A_55 = arith.constant 64 : i32
    %scan3A_56 = arith.addi %scan3A_54, %scan3A_55 : i32
    %scan3A_57 = arith.constant 1 : i32
    %scan3A_58 = scf.for %scan3A_209 = %scan3A_54 to %scan3A_56 step %scan3A_57 iter_args(%scan3A_210 = %scan3A_53) -> (i32)  : i32 {
      %mul3A_211 = arith.constant 16 : i32
      %mul3A_212 = arith.muli %scan3A_209, %mul3A_211 : i32
      %add3A_213 = arith.constant 1024 : i32
      %add3A_214 = arith.addi %add3A_213, %mul3A_212 : i32
      %get3A = arith.index_cast %add3A_214 : i32 to index
      %get3A_215 = tpu.vector_load %arg8[%get3A] {strides = array<i32>} : memref<10240xf32, #tpu.memory_space<vmem>>, vector<16xf32>,
      %mul3A_216 = arith.constant 256 : i32
      %mul3A_217 = arith.muli %scan3A_209, %mul3A_216 : i32
      %add3A_218 = arith.constant 1 : i32
      %add3A_219 = arith.addi %mul3A_217, %add3A_218 : i32
      %add3A_220 = vector.broadcast %add3A_219 : i32 to vector<16xi32>
      %add3A_221 = arith.addi %mul3A_24, %add3A_220 : vector<16xi32>
      tpu.vector_store_idx %arg9[%add3A_221], %get3A_215 : memref<16384xf32, #tpu.memory_space<vmem>>[vector<16xi32>], vector<16xf32>,
      %scan3A_222 = arith.constant 0 : i32
      scf.yield %scan3A_222 : i32
    }
    %scan3A_59 = arith.constant 64 : i32
    %dma_wait3A_60 = arith.constant 2 : i32
    %dma_wait3A_61 = arith.constant 2048 : i32
    %dma_wait3A_62 = tpu.memref_slice %arg8[%dma_wait3A_61] : memref<10240xf32, #tpu.memory_space<vmem>> -> memref<1024xf32, #tpu.memory_space<vmem>>
    %dma_wait3A_63 = arith.constant 0 : i32
    %dma_wait3A_64 = tpu.memref_slice %arg5[%dma_wait3A_63] : memref<524288xf32, #tpu.memory_space<hbm>> -> memref<1024xf32, #tpu.memory_space<hbm>>
    %dma_wait3A_65 = tpu.memref_slice %arg10[%dma_wait3A_60] : memref<10x!tpu.dma_semaphore, #tpu.memory_space<semaphore_mem>> -> memref<1x!tpu.dma_semaphore, #tpu.memory_space<semaphore_mem>>
    %dma_wait3A_66 = tpu.memref_squeeze %dma_wait3A_65 : memref<1x!tpu.dma_semaphore, #tpu.memory_space<semaphore_mem>> -> memref<!tpu.dma_semaphore, #tpu.memory_space<semaphore_mem>>
    %dma_wait3A_67 = arith.constant 2048 : i32
    %dma_wait3A_68 = tpu.memref_slice %arg8[%dma_wait3A_67] : memref<10240xf32, #tpu.memory_space<vmem>> -> memref<1024xf32, #tpu.memory_space<vmem>>
    %dma_wait3A_69 = arith.constant 0 : i32
    %dma_wait3A_70 = tpu.memref_slice %arg5[%dma_wait3A_69] : memref<524288xf32, #tpu.memory_space<hbm>> -> memref<1024xf32, #tpu.memory_space<hbm>>
    tpu.wait_dma2 semaphore(%dma_wait3A_66 : memref<!tpu.dma_semaphore, #tpu.memory_space<semaphore_mem>>) src(%dma_wait3A_70 : memref<1024xf32, #tpu.memory_space<hbm>>) dst(%dma_wait3A_68 : memref<1024xf32, #tpu.memory_space<vmem>>)
    %scan3A_71 = arith.constant 0 : i32
    %scan3A_72 = arith.constant 0 : i32
    %scan3A_73 = arith.constant 64 : i32
    %scan3A_74 = arith.addi %scan3A_72, %scan3A_73 : i32
    %scan3A_75 = arith.constant 1 : i32
    %scan3A_76 = scf.for %scan3A_209 = %scan3A_72 to %scan3A_74 step %scan3A_75 iter_args(%scan3A_210 = %scan3A_71) -> (i32)  : i32 {
      %mul3A_211 = arith.constant 16 : i32
      %mul3A_212 = arith.muli %scan3A_209, %mul3A_211 : i32
      %add3A_213 = arith.constant 2048 : i32
      %add3A_214 = arith.addi %add3A_213, %mul3A_212 : i32
      %get3A = arith.index_cast %add3A_214 : i32 to index
      %get3A_215 = tpu.vector_load %arg8[%get3A] {strides = array<i32>} : memref<10240xf32, #tpu.memory_space<vmem>>, vector<16xf32>,
      %mul3A_216 = arith.constant 256 : i32
      %mul3A_217 = arith.muli %scan3A_209, %mul3A_216 : i32
      %add3A_218 = arith.constant 2 : i32
      %add3A_219 = arith.addi %mul3A_217, %add3A_218 : i32
      %add3A_220 = vector.broadcast %add3A_219 : i32 to vector<16xi32>
      %add3A_221 = arith.addi %mul3A_24, %add3A_220 : vector<16xi32>
      tpu.vector_store_idx %arg9[%add3A_221], %get3A_215 : memref<16384xf32, #tpu.memory_space<vmem>>[vector<16xi32>], vector<16xf32>,
      %scan3A_222 = arith.constant 0 : i32
      scf.yield %scan3A_222 : i32
    }
    %scan3A_77 = arith.constant 64 : i32
    %dma_wait3A_78 = arith.constant 3 : i32
    %dma_wait3A_79 = arith.constant 3072 : i32
    %dma_wait3A_80 = tpu.memref_slice %arg8[%dma_wait3A_79] : memref<10240xf32, #tpu.memory_space<vmem>> -> memref<1024xf32, #tpu.memory_space<vmem>>
    %dma_wait3A_81 = arith.constant 0 : i32
    %dma_wait3A_82 = tpu.memref_slice %arg5[%dma_wait3A_81] : memref<524288xf32, #tpu.memory_space<hbm>> -> memref<1024xf32, #tpu.memory_space<hbm>>
    %dma_wait3A_83 = tpu.memref_slice %arg10[%dma_wait3A_78] : memref<10x!tpu.dma_semaphore, #tpu.memory_space<semaphore_mem>> -> memref<1x!tpu.dma_semaphore, #tpu.memory_space<semaphore_mem>>
    %dma_wait3A_84 = tpu.memref_squeeze %dma_wait3A_83 : memref<1x!tpu.dma_semaphore, #tpu.memory_space<semaphore_mem>> -> memref<!tpu.dma_semaphore, #tpu.memory_space<semaphore_mem>>
    %dma_wait3A_85 = arith.constant 3072 : i32
    %dma_wait3A_86 = tpu.memref_slice %arg8[%dma_wait3A_85] : memref<10240xf32, #tpu.memory_space<vmem>> -> memref<1024xf32, #tpu.memory_space<vmem>>
    %dma_wait3A_87 = arith.constant 0 : i32
    %dma_wait3A_88 = tpu.memref_slice %arg5[%dma_wait3A_87] : memref<524288xf32, #tpu.memory_space<hbm>> -> memref<1024xf32, #tpu.memory_space<hbm>>
    tpu.wait_dma2 semaphore(%dma_wait3A_84 : memref<!tpu.dma_semaphore, #tpu.memory_space<semaphore_mem>>) src(%dma_wait3A_88 : memref<1024xf32, #tpu.memory_space<hbm>>) dst(%dma_wait3A_86 : memref<1024xf32, #tpu.memory_space<vmem>>)
    %scan3A_89 = arith.constant 0 : i32
    %scan3A_90 = arith.constant 0 : i32
    %scan3A_91 = arith.constant 64 : i32
    %scan3A_92 = arith.addi %scan3A_90, %scan3A_91 : i32
    %scan3A_93 = arith.constant 1 : i32
    %scan3A_94 = scf.for %scan3A_209 = %scan3A_90 to %scan3A_92 step %scan3A_93 iter_args(%scan3A_210 = %scan3A_89) -> (i32)  : i32 {
      %mul3A_211 = arith.constant 16 : i32
      %mul3A_212 = arith.muli %scan3A_209, %mul3A_211 : i32
      %add3A_213 = arith.constant 3072 : i32
      %add3A_214 = arith.addi %add3A_213, %mul3A_212 : i32
      %get3A = arith.index_cast %add3A_214 : i32 to index
      %get3A_215 = tpu.vector_load %arg8[%get3A] {strides = array<i32>} : memref<10240xf32, #tpu.memory_space<vmem>>, vector<16xf32>,
      %mul3A_216 = arith.constant 256 : i32
      %mul3A_217 = arith.muli %scan3A_209, %mul3A_216 : i32
      %add3A_218 = arith.constant 3 : i32
      %add3A_219 = arith.addi %mul3A_217, %add3A_218 : i32
      %add3A_220 = vector.broadcast %add3A_219 : i32 to vector<16xi32>
      %add3A_221 = arith.addi %mul3A_24, %add3A_220 : vector<16xi32>
      tpu.vector_store_idx %arg9[%add3A_221], %get3A_215 : memref<16384xf32, #tpu.memory_space<vmem>>[vector<16xi32>], vector<16xf32>,
      %scan3A_222 = arith.constant 0 : i32
      scf.yield %scan3A_222 : i32
    }
    %scan3A_95 = arith.constant 64 : i32
    %dma_wait3A_96 = arith.constant 4 : i32
    %dma_wait3A_97 = arith.constant 4096 : i32
    %dma_wait3A_98 = tpu.memref_slice %arg8[%dma_wait3A_97] : memref<10240xf32, #tpu.memory_space<vmem>> -> memref<1024xf32, #tpu.memory_space<vmem>>
    %dma_wait3A_99 = arith.constant 0 : i32
    %dma_wait3A_100 = tpu.memref_slice %arg5[%dma_wait3A_99] : memref<524288xf32, #tpu.memory_space<hbm>> -> memref<1024xf32, #tpu.memory_space<hbm>>
    %dma_wait3A_101 = tpu.memref_slice %arg10[%dma_wait3A_96] : memref<10x!tpu.dma_semaphore, #tpu.memory_space<semaphore_mem>> -> memref<1x!tpu.dma_semaphore, #tpu.memory_space<semaphore_mem>>
    %dma_wait3A_102 = tpu.memref_squeeze %dma_wait3A_101 : memref<1x!tpu.dma_semaphore, #tpu.memory_space<semaphore_mem>> -> memref<!tpu.dma_semaphore, #tpu.memory_space<semaphore_mem>>
    %dma_wait3A_103 = arith.constant 4096 : i32
    %dma_wait3A_104 = tpu.memref_slice %arg8[%dma_wait3A_103] : memref<10240xf32, #tpu.memory_space<vmem>> -> memref<1024xf32, #tpu.memory_space<vmem>>
    %dma_wait3A_105 = arith.constant 0 : i32
    %dma_wait3A_106 = tpu.memref_slice %arg5[%dma_wait3A_105] : memref<524288xf32, #tpu.memory_space<hbm>> -> memref<1024xf32, #tpu.memory_space<hbm>>
    tpu.wait_dma2 semaphore(%dma_wait3A_102 : memref<!tpu.dma_semaphore, #tpu.memory_space<semaphore_mem>>) src(%dma_wait3A_106 : memref<1024xf32, #tpu.memory_space<hbm>>) dst(%dma_wait3A_104 : memref<1024xf32, #tpu.memory_space<vmem>>)
    %scan3A_107 = arith.constant 0 : i32
    %scan3A_108 = arith.constant 0 : i32
    %scan3A_109 = arith.constant 64 : i32
    %scan3A_110 = arith.addi %scan3A_108, %scan3A_109 : i32
    %scan3A_111 = arith.constant 1 : i32
    %scan3A_112 = scf.for %scan3A_209 = %scan3A_108 to %scan3A_110 step %scan3A_111 iter_args(%scan3A_210 = %scan3A_107) -> (i32)  : i32 {
      %mul3A_211 = arith.constant 16 : i32
      %mul3A_212 = arith.muli %scan3A_209, %mul3A_211 : i32
      %add3A_213 = arith.constant 4096 : i32
      %add3A_214 = arith.addi %add3A_213, %mul3A_212 : i32
      %get3A = arith.index_cast %add3A_214 : i32 to index
      %get3A_215 = tpu.vector_load %arg8[%get3A] {strides = array<i32>} : memref<10240xf32, #tpu.memory_space<vmem>>, vector<16xf32>,
      %mul3A_216 = arith.constant 256 : i32
      %mul3A_217 = arith.muli %scan3A_209, %mul3A_216 : i32
      %add3A_218 = arith.constant 4 : i32
      %add3A_219 = arith.addi %mul3A_217, %add3A_218 : i32
      %add3A_220 = vector.broadcast %add3A_219 : i32 to vector<16xi32>
      %add3A_221 = arith.addi %mul3A_24, %add3A_220 : vector<16xi32>
      tpu.vector_store_idx %arg9[%add3A_221], %get3A_215 : memref<16384xf32, #tpu.memory_space<vmem>>[vector<16xi32>], vector<16xf32>,
      %scan3A_222 = arith.constant 0 : i32
      scf.yield %scan3A_222 : i32
    }
    %scan3A_113 = arith.constant 64 : i32
    %dma_wait3A_114 = arith.constant 5 : i32
    %dma_wait3A_115 = arith.constant 5120 : i32
    %dma_wait3A_116 = tpu.memref_slice %arg8[%dma_wait3A_115] : memref<10240xf32, #tpu.memory_space<vmem>> -> memref<1024xf32, #tpu.memory_space<vmem>>
    %dma_wait3A_117 = arith.constant 0 : i32
    %dma_wait3A_118 = tpu.memref_slice %arg5[%dma_wait3A_117] : memref<524288xf32, #tpu.memory_space<hbm>> -> memref<1024xf32, #tpu.memory_space<hbm>>
    %dma_wait3A_119 = tpu.memref_slice %arg10[%dma_wait3A_114] : memref<10x!tpu.dma_semaphore, #tpu.memory_space<semaphore_mem>> -> memref<1x!tpu.dma_semaphore, #tpu.memory_space<semaphore_mem>>
    %dma_wait3A_120 = tpu.memref_squeeze %dma_wait3A_119 : memref<1x!tpu.dma_semaphore, #tpu.memory_space<semaphore_mem>> -> memref<!tpu.dma_semaphore, #tpu.memory_space<semaphore_mem>>
    %dma_wait3A_121 = arith.constant 5120 : i32
    %dma_wait3A_122 = tpu.memref_slice %arg8[%dma_wait3A_121] : memref<10240xf32, #tpu.memory_space<vmem>> -> memref<1024xf32, #tpu.memory_space<vmem>>
    %dma_wait3A_123 = arith.constant 0 : i32
    %dma_wait3A_124 = tpu.memref_slice %arg5[%dma_wait3A_123] : memref<524288xf32, #tpu.memory_space<hbm>> -> memref<1024xf32, #tpu.memory_space<hbm>>
    tpu.wait_dma2 semaphore(%dma_wait3A_120 : memref<!tpu.dma_semaphore, #tpu.memory_space<semaphore_mem>>) src(%dma_wait3A_124 : memref<1024xf32, #tpu.memory_space<hbm>>) dst(%dma_wait3A_122 : memref<1024xf32, #tpu.memory_space<vmem>>)
    %scan3A_125 = arith.constant 0 : i32
    %scan3A_126 = arith.constant 0 : i32
    %scan3A_127 = arith.constant 64 : i32
    %scan3A_128 = arith.addi %scan3A_126, %scan3A_127 : i32
    %scan3A_129 = arith.constant 1 : i32
    %scan3A_130 = scf.for %scan3A_209 = %scan3A_126 to %scan3A_128 step %scan3A_129 iter_args(%scan3A_210 = %scan3A_125) -> (i32)  : i32 {
      %mul3A_211 = arith.constant 16 : i32
      %mul3A_212 = arith.muli %scan3A_209, %mul3A_211 : i32
      %add3A_213 = arith.constant 5120 : i32
      %add3A_214 = arith.addi %add3A_213, %mul3A_212 : i32
      %get3A = arith.index_cast %add3A_214 : i32 to index
      %get3A_215 = tpu.vector_load %arg8[%get3A] {strides = array<i32>} : memref<10240xf32, #tpu.memory_space<vmem>>, vector<16xf32>,
      %mul3A_216 = arith.constant 256 : i32
      %mul3A_217 = arith.muli %scan3A_209, %mul3A_216 : i32
      %add3A_218 = arith.constant 5 : i32
      %add3A_219 = arith.addi %mul3A_217, %add3A_218 : i32
      %add3A_220 = vector.broadcast %add3A_219 : i32 to vector<16xi32>
      %add3A_221 = arith.addi %mul3A_24, %add3A_220 : vector<16xi32>
      tpu.vector_store_idx %arg9[%add3A_221], %get3A_215 : memref<16384xf32, #tpu.memory_space<vmem>>[vector<16xi32>], vector<16xf32>,
      %scan3A_222 = arith.constant 0 : i32
      scf.yield %scan3A_222 : i32
    }
    %scan3A_131 = arith.constant 64 : i32
    %dma_wait3A_132 = arith.constant 6 : i32
    %dma_wait3A_133 = arith.constant 6144 : i32
    %dma_wait3A_134 = tpu.memref_slice %arg8[%dma_wait3A_133] : memref<10240xf32, #tpu.memory_space<vmem>> -> memref<1024xf32, #tpu.memory_space<vmem>>
    %dma_wait3A_135 = arith.constant 0 : i32
    %dma_wait3A_136 = tpu.memref_slice %arg5[%dma_wait3A_135] : memref<524288xf32, #tpu.memory_space<hbm>> -> memref<1024xf32, #tpu.memory_space<hbm>>
    %dma_wait3A_137 = tpu.memref_slice %arg10[%dma_wait3A_132] : memref<10x!tpu.dma_semaphore, #tpu.memory_space<semaphore_mem>> -> memref<1x!tpu.dma_semaphore, #tpu.memory_space<semaphore_mem>>
    %dma_wait3A_138 = tpu.memref_squeeze %dma_wait3A_137 : memref<1x!tpu.dma_semaphore, #tpu.memory_space<semaphore_mem>> -> memref<!tpu.dma_semaphore, #tpu.memory_space<semaphore_mem>>
    %dma_wait3A_139 = arith.constant 6144 : i32
    %dma_wait3A_140 = tpu.memref_slice %arg8[%dma_wait3A_139] : memref<10240xf32, #tpu.memory_space<vmem>> -> memref<1024xf32, #tpu.memory_space<vmem>>
    %dma_wait3A_141 = arith.constant 0 : i32
    %dma_wait3A_142 = tpu.memref_slice %arg5[%dma_wait3A_141] : memref<524288xf32, #tpu.memory_space<hbm>> -> memref<1024xf32, #tpu.memory_space<hbm>>
    tpu.wait_dma2 semaphore(%dma_wait3A_138 : memref<!tpu.dma_semaphore, #tpu.memory_space<semaphore_mem>>) src(%dma_wait3A_142 : memref<1024xf32, #tpu.memory_space<hbm>>) dst(%dma_wait3A_140 : memref<1024xf32, #tpu.memory_space<vmem>>)
    %scan3A_143 = arith.constant 0 : i32
    %scan3A_144 = arith.constant 0 : i32
    %scan3A_145 = arith.constant 64 : i32
    %scan3A_146 = arith.addi %scan3A_144, %scan3A_145 : i32
    %scan3A_147 = arith.constant 1 : i32
    %scan3A_148 = scf.for %scan3A_209 = %scan3A_144 to %scan3A_146 step %scan3A_147 iter_args(%scan3A_210 = %scan3A_143) -> (i32)  : i32 {
      %mul3A_211 = arith.constant 16 : i32
      %mul3A_212 = arith.muli %scan3A_209, %mul3A_211 : i32
      %add3A_213 = arith.constant 6144 : i32
      %add3A_214 = arith.addi %add3A_213, %mul3A_212 : i32
      %get3A = arith.index_cast %add3A_214 : i32 to index
      %get3A_215 = tpu.vector_load %arg8[%get3A] {strides = array<i32>} : memref<10240xf32, #tpu.memory_space<vmem>>, vector<16xf32>,
      %mul3A_216 = arith.constant 256 : i32
      %mul3A_217 = arith.muli %scan3A_209, %mul3A_216 : i32
      %add3A_218 = arith.constant 6 : i32
      %add3A_219 = arith.addi %mul3A_217, %add3A_218 : i32
      %add3A_220 = vector.broadcast %add3A_219 : i32 to vector<16xi32>
      %add3A_221 = arith.addi %mul3A_24, %add3A_220 : vector<16xi32>
      tpu.vector_store_idx %arg9[%add3A_221], %get3A_215 : memref<16384xf32, #tpu.memory_space<vmem>>[vector<16xi32>], vector<16xf32>,
      %scan3A_222 = arith.constant 0 : i32
      scf.yield %scan3A_222 : i32
    }
    %scan3A_149 = arith.constant 64 : i32
    %dma_wait3A_150 = arith.constant 7 : i32
    %dma_wait3A_151 = arith.constant 7168 : i32
    %dma_wait3A_152 = tpu.memref_slice %arg8[%dma_wait3A_151] : memref<10240xf32, #tpu.memory_space<vmem>> -> memref<1024xf32, #tpu.memory_space<vmem>>
    %dma_wait3A_153 = arith.constant 0 : i32
    %dma_wait3A_154 = tpu.memref_slice %arg5[%dma_wait3A_153] : memref<524288xf32, #tpu.memory_space<hbm>> -> memref<1024xf32, #tpu.memory_space<hbm>>
    %dma_wait3A_155 = tpu.memref_slice %arg10[%dma_wait3A_150] : memref<10x!tpu.dma_semaphore, #tpu.memory_space<semaphore_mem>> -> memref<1x!tpu.dma_semaphore, #tpu.memory_space<semaphore_mem>>
    %dma_wait3A_156 = tpu.memref_squeeze %dma_wait3A_155 : memref<1x!tpu.dma_semaphore, #tpu.memory_space<semaphore_mem>> -> memref<!tpu.dma_semaphore, #tpu.memory_space<semaphore_mem>>
    %dma_wait3A_157 = arith.constant 7168 : i32
    %dma_wait3A_158 = tpu.memref_slice %arg8[%dma_wait3A_157] : memref<10240xf32, #tpu.memory_space<vmem>> -> memref<1024xf32, #tpu.memory_space<vmem>>
    %dma_wait3A_159 = arith.constant 0 : i32
    %dma_wait3A_160 = tpu.memref_slice %arg5[%dma_wait3A_159] : memref<524288xf32, #tpu.memory_space<hbm>> -> memref<1024xf32, #tpu.memory_space<hbm>>
    tpu.wait_dma2 semaphore(%dma_wait3A_156 : memref<!tpu.dma_semaphore, #tpu.memory_space<semaphore_mem>>) src(%dma_wait3A_160 : memref<1024xf32, #tpu.memory_space<hbm>>) dst(%dma_wait3A_158 : memref<1024xf32, #tpu.memory_space<vmem>>)
    %scan3A_161 = arith.constant 0 : i32
    %scan3A_162 = arith.constant 0 : i32
    %scan3A_163 = arith.constant 64 : i32
    %scan3A_164 = arith.addi %scan3A_162, %scan3A_163 : i32
    %scan3A_165 = arith.constant 1 : i32
    %scan3A_166 = scf.for %scan3A_209 = %scan3A_162 to %scan3A_164 step %scan3A_165 iter_args(%scan3A_210 = %scan3A_161) -> (i32)  : i32 {
      %mul3A_211 = arith.constant 16 : i32
      %mul3A_212 = arith.muli %scan3A_209, %mul3A_211 : i32
      %add3A_213 = arith.constant 7168 : i32
      %add3A_214 = arith.addi %add3A_213, %mul3A_212 : i32
      %get3A = arith.index_cast %add3A_214 : i32 to index
      %get3A_215 = tpu.vector_load %arg8[%get3A] {strides = array<i32>} : memref<10240xf32, #tpu.memory_space<vmem>>, vector<16xf32>,
      %mul3A_216 = arith.constant 256 : i32
      %mul3A_217 = arith.muli %scan3A_209, %mul3A_216 : i32
      %add3A_218 = arith.constant 7 : i32
      %add3A_219 = arith.addi %mul3A_217, %add3A_218 : i32
      %add3A_220 = vector.broadcast %add3A_219 : i32 to vector<16xi32>
      %add3A_221 = arith.addi %mul3A_24, %add3A_220 : vector<16xi32>
      tpu.vector_store_idx %arg9[%add3A_221], %get3A_215 : memref<16384xf32, #tpu.memory_space<vmem>>[vector<16xi32>], vector<16xf32>,
      %scan3A_222 = arith.constant 0 : i32
      scf.yield %scan3A_222 : i32
    }
    %scan3A_167 = arith.constant 64 : i32
    %dma_wait3A_168 = arith.constant 8 : i32
    %dma_wait3A_169 = arith.constant 8192 : i32
    %dma_wait3A_170 = tpu.memref_slice %arg8[%dma_wait3A_169] : memref<10240xf32, #tpu.memory_space<vmem>> -> memref<1024xf32, #tpu.memory_space<vmem>>
    %dma_wait3A_171 = arith.constant 0 : i32
    %dma_wait3A_172 = tpu.memref_slice %arg5[%dma_wait3A_171] : memref<524288xf32, #tpu.memory_space<hbm>> -> memref<1024xf32, #tpu.memory_space<hbm>>
    %dma_wait3A_173 = tpu.memref_slice %arg10[%dma_wait3A_168] : memref<10x!tpu.dma_semaphore, #tpu.memory_space<semaphore_mem>> -> memref<1x!tpu.dma_semaphore, #tpu.memory_space<semaphore_mem>>
    %dma_wait3A_174 = tpu.memref_squeeze %dma_wait3A_173 : memref<1x!tpu.dma_semaphore, #tpu.memory_space<semaphore_mem>> -> memref<!tpu.dma_semaphore, #tpu.memory_space<semaphore_mem>>
    %dma_wait3A_175 = arith.constant 8192 : i32
    %dma_wait3A_176 = tpu.memref_slice %arg8[%dma_wait3A_175] : memref<10240xf32, #tpu.memory_space<vmem>> -> memref<1024xf32, #tpu.memory_space<vmem>>
    %dma_wait3A_177 = arith.constant 0 : i32
    %dma_wait3A_178 = tpu.memref_slice %arg5[%dma_wait3A_177] : memref<524288xf32, #tpu.memory_space<hbm>> -> memref<1024xf32, #tpu.memory_space<hbm>>
    tpu.wait_dma2 semaphore(%dma_wait3A_174 : memref<!tpu.dma_semaphore, #tpu.memory_space<semaphore_mem>>) src(%dma_wait3A_178 : memref<1024xf32, #tpu.memory_space<hbm>>) dst(%dma_wait3A_176 : memref<1024xf32, #tpu.memory_space<vmem>>)
    %scan3A_179 = arith.constant 0 : i32
    %scan3A_180 = arith.constant 0 : i32
    %scan3A_181 = arith.constant 64 : i32
    %scan3A_182 = arith.addi %scan3A_180, %scan3A_181 : i32
    %scan3A_183 = arith.constant 1 : i32
    %scan3A_184 = scf.for %scan3A_209 = %scan3A_180 to %scan3A_182 step %scan3A_183 iter_args(%scan3A_210 = %scan3A_179) -> (i32)  : i32 {
      %mul3A_211 = arith.constant 16 : i32
      %mul3A_212 = arith.muli %scan3A_209, %mul3A_211 : i32
      %add3A_213 = arith.constant 8192 : i32
      %add3A_214 = arith.addi %add3A_213, %mul3A_212 : i32
      %get3A = arith.index_cast %add3A_214 : i32 to index
      %get3A_215 = tpu.vector_load %arg8[%get3A] {strides = array<i32>} : memref<10240xf32, #tpu.memory_space<vmem>>, vector<16xf32>,
      %mul3A_216 = arith.constant 256 : i32
      %mul3A_217 = arith.muli %scan3A_209, %mul3A_216 : i32
      %add3A_218 = arith.constant 8 : i32
      %add3A_219 = arith.addi %mul3A_217, %add3A_218 : i32
      %add3A_220 = vector.broadcast %add3A_219 : i32 to vector<16xi32>
      %add3A_221 = arith.addi %mul3A_24, %add3A_220 : vector<16xi32>
      tpu.vector_store_idx %arg9[%add3A_221], %get3A_215 : memref<16384xf32, #tpu.memory_space<vmem>>[vector<16xi32>], vector<16xf32>,
      %scan3A_222 = arith.constant 0 : i32
      scf.yield %scan3A_222 : i32
    }
    %scan3A_185 = arith.constant 64 : i32
    %dma_wait3A_186 = arith.constant 9 : i32
    %dma_wait3A_187 = arith.constant 9216 : i32
    %dma_wait3A_188 = tpu.memref_slice %arg8[%dma_wait3A_187] : memref<10240xf32, #tpu.memory_space<vmem>> -> memref<1024xf32, #tpu.memory_space<vmem>>
    %dma_wait3A_189 = arith.constant 0 : i32
    %dma_wait3A_190 = tpu.memref_slice %arg5[%dma_wait3A_189] : memref<524288xf32, #tpu.memory_space<hbm>> -> memref<1024xf32, #tpu.memory_space<hbm>>
    %dma_wait3A_191 = tpu.memref_slice %arg10[%dma_wait3A_186] : memref<10x!tpu.dma_semaphore, #tpu.memory_space<semaphore_mem>> -> memref<1x!tpu.dma_semaphore, #tpu.memory_space<semaphore_mem>>
    %dma_wait3A_192 = tpu.memref_squeeze %dma_wait3A_191 : memref<1x!tpu.dma_semaphore, #tpu.memory_space<semaphore_mem>> -> memref<!tpu.dma_semaphore, #tpu.memory_space<semaphore_mem>>
    %dma_wait3A_193 = arith.constant 9216 : i32
    %dma_wait3A_194 = tpu.memref_slice %arg8[%dma_wait3A_193] : memref<10240xf32, #tpu.memory_space<vmem>> -> memref<1024xf32, #tpu.memory_space<vmem>>
    %dma_wait3A_195 = arith.constant 0 : i32
    %dma_wait3A_196 = tpu.memref_slice %arg5[%dma_wait3A_195] : memref<524288xf32, #tpu.memory_space<hbm>> -> memref<1024xf32, #tpu.memory_space<hbm>>
    tpu.wait_dma2 semaphore(%dma_wait3A_192 : memref<!tpu.dma_semaphore, #tpu.memory_space<semaphore_mem>>) src(%dma_wait3A_196 : memref<1024xf32, #tpu.memory_space<hbm>>) dst(%dma_wait3A_194 : memref<1024xf32, #tpu.memory_space<vmem>>)
    %scan3A_197 = arith.constant 0 : i32
    %scan3A_198 = arith.constant 0 : i32
    %scan3A_199 = arith.constant 64 : i32
    %scan3A_200 = arith.addi %scan3A_198, %scan3A_199 : i32
    %scan3A_201 = arith.constant 1 : i32
    %scan3A_202 = scf.for %scan3A_209 = %scan3A_198 to %scan3A_200 step %scan3A_201 iter_args(%scan3A_210 = %scan3A_197) -> (i32)  : i32 {
      %mul3A_211 = arith.constant 16 : i32
      %mul3A_212 = arith.muli %scan3A_209, %mul3A_211 : i32
      %add3A_213 = arith.constant 9216 : i32
      %add3A_214 = arith.addi %add3A_213, %mul3A_212 : i32
      %get3A = arith.index_cast %add3A_214 : i32 to index
      %get3A_215 = tpu.vector_load %arg8[%get3A] {strides = array<i32>} : memref<10240xf32, #tpu.memory_space<vmem>>, vector<16xf32>,
      %mul3A_216 = arith.constant 256 : i32
      %mul3A_217 = arith.muli %scan3A_209, %mul3A_216 : i32
      %add3A_218 = arith.constant 9 : i32
      %add3A_219 = arith.addi %mul3A_217, %add3A_218 : i32
      %add3A_220 = vector.broadcast %add3A_219 : i32 to vector<16xi32>
      %add3A_221 = arith.addi %mul3A_24, %add3A_220 : vector<16xi32>
      tpu.vector_store_idx %arg9[%add3A_221], %get3A_215 : memref<16384xf32, #tpu.memory_space<vmem>>[vector<16xi32>], vector<16xf32>,
      %scan3A_222 = arith.constant 0 : i32
      scf.yield %scan3A_222 : i32
    }
    %scan3A_203 = arith.constant 64 : i32
    %mul3A_204 = arith.constant 16384 : i32
    %mul3A_205 = arith.muli %add3A, %mul3A_204 : i32
    %dma_start3A = tpu.memref_slice %arg5[%mul3A_205] : memref<524288xf32, #tpu.memory_space<hbm>> -> memref<16384xf32, #tpu.memory_space<hbm>>
    %dma_start3A_206 = tpu.memref_slice %arg5[%mul3A_205] : memref<524288xf32, #tpu.memory_space<hbm>> -> memref<16384xf32, #tpu.memory_space<hbm>>
    tpu.enqueue_dma source(%arg9 : memref<16384xf32, #tpu.memory_space<vmem>>) target(%dma_start3A_206 : memref<16384xf32, #tpu.memory_space<hbm>>) target_semaphore(%arg11 : memref<!tpu.dma_semaphore, #tpu.memory_space<semaphore_mem>>)
    %dma_wait3A_207 = tpu.memref_slice %arg5[%mul3A_205] : memref<524288xf32, #tpu.memory_space<hbm>> -> memref<16384xf32, #tpu.memory_space<hbm>>
    %dma_wait3A_208 = tpu.memref_slice %arg5[%mul3A_205] : memref<524288xf32, #tpu.memory_space<hbm>> -> memref<16384xf32, #tpu.memory_space<hbm>>
    tpu.wait_dma2 semaphore(%arg11 : memref<!tpu.dma_semaphore, #tpu.memory_space<semaphore_mem>>) src(%arg9 : memref<16384xf32, #tpu.memory_space<vmem>>) dst(%dma_wait3A_208 : memref<16384xf32, #tpu.memory_space<hbm>>)
    return
  }
}

</mosaic_0001>

<sc_bundles>
// kernel: _sc_gather.3.cloned.1.call-start
scs
__scs_entry_jumppad:
0x0: {  	(pc) =	sbr.rel $0x88, $3  }
0x1: {  	(tag) =	ssettag $0x0;
	lr =	simm.s32 $0x1  }
0x2: {  	[smem:$0x3F9E] =	sst lr;
	_ =	strace $0xD0000000  }
0x3: {  	_ = 	snop  }
0x4: {  	_ = 	snop  }
0x5: {  	_ = 	snop  }
0x6: {  	_ = 	snop  }
0x7: {  	_ = 	snop  }
__scs_overlays_trampoline_lowered:
0x8: {  	[smem:$0x3FAD] =	sst s0  }
0x9: {  	[smem:$0x3FAE] =	sst s1  }
0xa: {  	[smem:$0x3FAF] =	sst s2  }
0xb: {  	[smem:$0x3FB0] =	sst s3  }
0xc: {  	[smem:$0x3FB1] =	sst s4  }
0xd: {  	[smem:$0x3FB2] =	sst s5  }
0xe: {  	[smem:$0x3FB3] =	sst s6  }
0xf: {  	[smem:$0x3FB4] =	sst s7  }
0x10: {  	[smem:$0x3FB5] =	sst s8  }
0x11: {  	[smem:$0x3FB6] =	sst s9;
	s0 =	simm.s32 @!p0 $0x0  }
0x12: {  	s1 =	sld [smem:$0x3F9C];
	s0 =	simm.s32 @p0 $0x1  }
0x13: {  	[smem:$0x3FB7] =	sst s0;
	s0 =	simm.s32 @!p1 $0x0  }
0x14: {  	s2 =	sld [smem:$0x3F9B];
	s0 =	simm.s32 @p1 $0x1  }
0x15: {  	[smem:$0x3FB8] =	sst s0;
	s0 =	simm.s32 @!p2 $0x0  }
0x16: {  	s3 =	sld [smem:$0x3FDB];
	s0 =	simm.s32 @p2 $0x1  }
0x17: {  	s4 =	simm.s32 $0x1BF5;
	[smem:$0x3FBA] =	sst s0  }
0x18: {  	s0 =	sld [smem:$0x3F9D];
	_ =	swait.ge [sflag:s4], $0x0  }
0x19: {  	s7 =	sld [smem:$0x3F9E]  }
0x1a: {  	s8 =	sadd.s32 $0xFFFFE003, lr  }
0x1b: {  	s9 =	sadd.s32 $0xFFFFFEF7, lr;
	s5 =	simm.s32 $0xFFFFFFFF;
	p2 =	slt.u32 s8, $0xFFFFF086  }
0x1c: {  	p1 =	slt.u32 s9, $0xF7A;
	s5 =	simm.s32 @!p2 $0x0  }
0x1d: {  	s5 =	simm.s32 @p1 $0x1;
	p0 =	seq.s32 s7, s2  }
0x1e: {  	s7 =	smul.u32 @!p0 $0xF7A, s2;
	p2 =	seq.s32 @!p0 s5, $0x0  }
0x1f: {  	s9 =	smul.u32 $0xF7A, s1;
	s8 =	simm.s32 @!p0 $0x1BF5;
	p2 =	por !p2, p0  }
0x20: {  	[sflag:s8] =	ssyncset.s32 @!p0 $0xFFFFF086;
	s6 =	sadd.s32 @!p0 s3, s7;
	s7 =	simm.s32 @!p0 $0x108  }
0x21: {  	s3 =	sadd.s32 s3, s9;
	s6 =	sadd.s32 @!p0 $0x88, s6;
	s7 =	simm.s32 @p2 $0x1082  }
0x22: {  	[simem:s7], [sflag:s8] =	dma.local @!p0 [hbm:s6], $0xF7A  }
0x23: {  	s9 =	sor.u32 $0xD0000000, s2;
	s6 =	simm.s32 $0x108;
	_ =	swait.ge @!p0 [sflag:s8], $0x0  }
0x24: {  	s3 =	sadd.s32 $0x88, s3;
	s6 =	simm.s32 @!p1 $0x1082;
	[sflag:s4] =	ssyncset.s32 $0xFFFFF086  }
0x25: {  	[simem:s6], [sflag:s4] =	dma.local [hbm:s3], $0xF7A  }
0x26: {  	[smem:$0x3F9E] =	sst s1;
	(tag) =	ssettag s2;
	_ =	strace s9  }
0x27: {  	s1 =	sld [smem:$0x3FAE]  }
0x28: {  	s2 =	sld [smem:$0x3FAF]  }
0x29: {  	s4 =	sld [smem:$0x3FB1]  }
0x2a: {  	p0 =	seq.s32 s5, $0x0;
	s5 =	sld [smem:$0x3FB2]  }
0x2b: {  	s6 =	sld [smem:$0x3FB3]  }
0x2c: {  	s7 =	sld [smem:$0x3FB4]  }
0x2d: {  	s3 =	simm.s32 $0x108;
	s8 =	sld [smem:$0x3FB5]  }
0x2e: {  	s3 =	simm.s32 @!p0 $0x1082;
	s9 =	sld [smem:$0x3FB6]  }
0x2f: {  	lr =	sadd.s32 s0, s3;
	s0 =	sld [smem:$0x3FAD]  }
0x30: {  	s3 =	sld [smem:$0x3FB0]  }
0x31: {  	[smem:$0x3FB9] =	sst s10  }
0x32: {  	s10 =	sld [smem:$0x3FB7];
	_ =	sdelay $0x3  }
0x33: {  	p0 =	seq.s32 s10, $0x1;
	s10 =	sld [smem:$0x3FB9];
	_ =	sdelay $0x3  }
0x34: {  	[smem:$0x3FB9] =	sst s10  }
0x35: {  	s10 =	sld [smem:$0x3FB8];
	_ =	sdelay $0x3  }
0x36: {  	p1 =	seq.s32 s10, $0x1;
	s10 =	sld [smem:$0x3FB9];
	_ =	sdelay $0x3  }
0x37: {  	[smem:$0x3FB9] =	sst s10  }
0x38: {  	s10 =	sld [smem:$0x3FBA]  }
0x39: {  	_ = 	snop;
	(pc) =	sbr.ind lr, $3  }
0x3a: {  	_ = 	snop  }
0x3b: {  	_ = 	snop  }
0x3c: {  	p2 =	seq.s32 s10, $0x1;
	s10 =	sld [smem:$0x3FB9]  }
0x3d: {  	_ =	shalt  }
0x3e: {  	_ =	shalt  }
0x3f: {  	_ =	shalt  }
0x40: {  	_ =	shalt  }
0x41: {  	_ =	shalt  }
0x42: {  	_ =	shalt  }
0x43: {  	_ =	shalt  }
0x44: {  	_ =	shalt  }
0x45: {  	_ =	shalt  }
0x46: {  	_ =	shalt  }
0x47: {  	_ =	shalt  }
0x48: {  	_ =	shalt  }
0x49: {  	_ =	shalt  }
0x4a: {  	_ =	shalt  }
0x4b: {  	_ =	shalt  }
0x4c: {  	_ =	shalt  }
0x4d: {  	_ =	shalt  }
0x4e: {  	_ =	shalt  }
0x4f: {  	_ =	shalt  }
0x50: {  	_ =	shalt  }
0x51: {  	_ =	shalt  }
0x52: {  	_ =	shalt  }
0x53: {  	_ =	shalt  }
0x54: {  	_ =	shalt  }
0x55: {  	_ =	shalt  }
0x56: {  	_ =	shalt  }
0x57: {  	_ =	shalt  }
0x58: {  	_ =	shalt  }
0x59: {  	_ =	shalt  }
0x5a: {  	_ =	shalt  }
0x5b: {  	_ =	shalt  }
0x5c: {  	_ =	shalt  }
0x5d: {  	_ =	shalt  }
0x5e: {  	_ =	shalt  }
0x5f: {  	_ =	shalt  }
0x60: {  	_ =	shalt  }
0x61: {  	_ =	shalt  }
0x62: {  	_ =	shalt  }
0x63: {  	_ =	shalt  }
0x64: {  	_ =	shalt  }
0x65: {  	_ =	shalt  }
0x66: {  	_ =	shalt  }
0x67: {  	_ =	shalt  }
0x68: {  	_ =	shalt  }
0x69: {  	_ =	shalt  }
0x6a: {  	_ =	shalt  }
0x6b: {  	_ =	shalt  }
0x6c: {  	_ =	shalt  }
0x6d: {  	_ =	shalt  }
0x6e: {  	_ =	shalt  }
0x6f: {  	_ =	shalt  }
0x70: {  	_ =	shalt  }
0x71: {  	_ =	shalt  }
0x72: {  	_ =	shalt  }
0x73: {  	_ =	shalt  }
0x74: {  	_ =	shalt  }
0x75: {  	_ =	shalt  }
0x76: {  	_ =	shalt  }
0x77: {  	_ =	shalt  }
0x78: {  	_ =	shalt  }
0x79: {  	_ =	shalt  }
0x7a: {  	_ =	shalt  }
0x7b: {  	_ =	shalt  }
0x7c: {  	_ =	shalt  }
0x7d: {  	_ =	shalt  }
0x7e: {  	_ =	shalt  }
0x7f: {  	_ =	shalt  }
0x80: {  	_ =	shalt  }
0x81: {  	_ =	shalt  }
0x82: {  	_ =	shalt  }
0x83: {  	_ =	shalt  }
0x84: {  	_ =	shalt  }
0x85: {  	_ =	shalt  }
0x86: {  	_ =	shalt  }
0x87: {  	_ =	shalt  }
.Lfunc_end0:
.L_simem_size_0:
called_computation_lowered:
.L_overlay_start_0:
0x88: {  	s2 =	sld [smem:$0x3FD9]  }
0x89: {  	s3 =	sld [smem:$0x3FFE];
	_ =	sdelay $0x1  }
0x8a: {  	s1 =	srdreg.scid  }
0x8b: {  	s0 =	sand.u32 $0x1, s1  }
0x8c: {  	s18 =	sshll.u32 s0, $0xA;
	s2 =	sadd.s32 s3, s2  }
0x8d: {  	s2 =	sadd.s32 s2, s18  }
0x8e: {  	[smem:$0x3FC5] =	sst s2  }
0x8f: {  	_ = 	snop  }
0x90: {  	s2 =	sld [smem:$0x3FC9]  }
0x91: {  	s19 =	sld [smem:$0x3FC8]  }
0x92: {  	s4 =	sld [smem:$0x3FC7]  }
0x93: {  	s5 =	sld [smem:$0x3FD0];
	(tm) =	ssettm $0x1  }
0x94: {  	s6 =	sld [smem:$0x3FFB];
	_ =	sdelay $0x3  }
0x95: {  	_ =	strace s6  }
0x96: {  	s6 =	sld [smem:$0x3FFC];
	_ =	sdelay $0x3  }
0x97: {  	_ =	strace s6  }
0x98: {  	s6 =	sld [smem:$0x3FFD];
	_ =	sdelay $0x3  }
0x99: {  	_ =	strace s6  }
0x9a: {  	_ =	strace $0x8FFFFFFF  }
0x9b: {  	s20 =	sld [smem:$0x3FDB];
	_ =	sdelay $0x1  }
0x9c: {  	s7 =	simm.s32 $_scs_section_size  }
0x9d: {  	s8 =	simm.s32 $_size__tile_overlayer_lowered;
	s9 =	simm.s32 $_tile_overlayer_lowered  }
0x9e: {  	s23 =	simm.s32 $0x1BFF;
	s22 =	sshll.u32 s9, $0x1;
	s6 =	sadd.s32 s7, s20  }
0x9f: {  	s10 =	simm.s32 $0x0;
	s21 =	sshll.u32 s8, $0x1;
	s8 =	sadd.s32 s22, s6  }
0xa0: {  	[timem:s10], [sflag:s23] =	dma.local [hbm:s8], s21  }
0xa1: {  	_ =	swait.ge [sflag:s23], s21  }
0xa2: {  	s7 =	ssub.s32 $0x0, s21;
	[sflag:s23] =	ssyncset.done $0x0  }
0xa3: {  	[sflag:s23] =	ssyncadd.s32 s7;
	_ =	sdelay $0x1  }
0xa4: {  	s24 =	simm.s32 $0x1B8B  }
0xa5: {  	_ =	swait.ge [sflag:s24], $0x1  }
0xa6: {  	[sflag:s24] =	ssyncset.done $0x0  }
0xa7: {  	s25 =	simm.s32 $0x1B8E;
	[sflag:s24] =	ssyncadd.s32 $0xFFFFFFFF  }
0xa8: {  	s26 =	simm.s32 $execute0_lowered;
	[smem:$0x3FD2] =	sst s25  }
0xa9: {  	s7 =	sshll.u32 s26, $0x1;
	_ =	strace $0x80000046;
	[dreg:$0x1] =	wrdreg $0xFFFFFFFF  }
0xaa: {  	s28 =	simm.s32 $_size_execute0_lowered;
	s6 =	sadd.s32 s6, s7;
	[dreg:$0x0] =	wrdreg $0x0  }
0xab: {  	s7 =	sshll.u32 s28, $0x1;
	[dreg:$0x2] =	wrdreg s6  }
0xac: {  	[dreg:$0x3] =	wrdreg s7  }
0xad: {  	[dreg:$0x4] =	wrdreg $0xC0  }
0xae: {  	_ =	task [dreg:s10], $0x5FFFF  }
0xaf: {  	[dreg:$0x1] =	wrdreg $0xFFFFFFFF  }
0xb0: {  	[dreg:$0x0] =	wrdreg $0x60  }
0xb1: {  	[dreg:$0x2] =	wrdreg s2  }
0xb2: {  	[dreg:$0x3] =	wrdreg s19  }
0xb3: {  	[dreg:$0x4] =	wrdreg s4  }
0xb4: {  	[dreg:$0x5] =	wrdreg s5  }
0xb5: {  	[dreg:$0x6] =	wrdreg $0x9  }
0xb6: {  	_ =	task.clear_ibuf [dreg:s10], $0x7FFFF;
	_ =	strace $0x90000046  }
0xb7: {  	s29 =	simm.s32 $0x9;
	_ =	strace $0x80000048  }
0xb8: {  	_ =	swait.ge [sflag:s29], $0x1  }
0xb9: {  	[sflag:s29] =	ssyncadd.s32 $0xFFFFFFFF  }
0xba: {  	_ =	strace $0x90000048  }
0xbb: {  	_ =	sfence  }
0xbc: {  	s30 =	sld [smem:$0x0];
	_ =	sdelay $0x2  }
0xbd: {  	s31 =	sshll.u32 s1, $0xD;
	s1 =	sshrl.u32 s1, $0x2  }
0xbe: {  	s3 =	sand.u32 $0x4000, s31;
	s1 =	sadd.s32 s1, s30  }
0xbf: {  	s0 =	sor.u32 s3, s0;
	s1 =	sshll.u32 s1, $0x11  }
0xc0: {  	s0 =	sor.u32 s1, s0  }
0xc1: {  	s0 =	sadd.s32 $0x8F2B, s0  }
0xc2: {  	[sflag:s0] =	ssyncadd.remote.s32 $0x1  }
0xc3: {  	_ =	sfence.sel $0xFFFF  }
0xc4: {  	[dreg:$0x0] =	wrdreg $0xFFFFFFFF;
	(pc) =	sbr.abs _section_cstart, $3  }
0xc5: {  	[dreg:$0x1] =	wrdreg $0xFFFFFFFF  }
0xc6: {  	_ =	task.clear_ibuf [dreg:s10], $0x2FFFF;
	_ =	strace $0x9FFFFFFF  }
0xc7: {  	(tm) =	ssettm $0x7FFFFFFF  }
tec
execute0_lowered:
.L_overlay_start_1:
0x0: {  	(tag) =	ssettag $0x1  }
0x1: {  	s0 =	rddreg [dreg:$0x0]  }
0x2: {  	s1 =	rddreg [dreg:$0x1]  }
0x3: {  	s2 =	rddreg [dreg:$0x2]  }
0x4: {  	s3 =	rddreg [dreg:$0x3];
	s4 =	simm.s32 $0x0  }
0x5: {  	s5 =	srdreg.scid;
	s7 =	stileid.u32;
	s10 =	simm.s32 $0x400  }
0x6: {  	s12 =	simm.s32 $0x2780;
	s13 =	simm.s32 $0x4F80;
	s14 =	simm.s32 $0x2B80  }
0x7: {  	s15 =	simm.s32 $0x5380;
	s16 =	simm.s32 $0x1;
	s17 =	simm.s32 $0x5400  }
0x8: {  	s18 =	simm.s32 $0x2;
	s19 =	simm.s32 $0x3;
	s20 =	simm.s32 $0x4  }
0x9: {  	s21 =	simm.s32 $0x5;
	s22 =	simm.s32 $0x6;
	s23 =	simm.s32 $0x7  }
0xa: {  	s24 =	simm.s32 $0x8;
	s25 =	simm.s32 $0x9;
	s26 =	simm.s32 $0xA  }
0xb: {  	s28 =	simm.s32 $0xB;
	s29 =	simm.s32 $0x0;
	[smem:$0x7FF] =	sst s4  }
0xc: {  	s5 =	sand.u32 $0x1, s5;
	s6 =	sshll.u32 s7, $0x1;
	s7 =	sshll.u32 s7, $0x8  }
0xd: {  	_ =	strace $0x80000047;
	s6 =	sor.u32 s5, s6;
	s5 =	ssub.s32 $0x2, s5  }
0xe: {  	s7 =	sand.u32 $0xC00, s7;
	s8 =	sshll.u32 s6, $0x4;
	s9 =	sshrl.u32 s5, $0x1  }
0xf: {  	s0 =	sadd.s32 s0, s7;
	s31 =	sshll.u32 s6, $0xB;
	s8 =	sand.u32 $0x70, s8  }
0x10: {  	v1 =	vlaneseq.u32;
	s30 =	ssub.s32 s5, s9;
	s6 =	sadd.s32 s3, s31;
	s9 =	simm.s32 $0xC  }
0x11: {  	v0 =	vimm.f32 $0.0e+00;
	v1 =	vmul.u32 $0x10, v1;
	s5 =	sadd.s32 s8, s0;
	s7 =	smax.u32 s30, $0x1;
	s8 =	simm.s32 $0x80  }
.LBB2_1:
0x12: {  	[tilespmem:s4], [sflag:$0xC] =	stream.strided.gather [hbm4b:s5+s8], $0x400, s10, s8, $0x38;
	[tilespmem:$0x9400] =	vst v63  }
0x13: {  	_ =	swait.ge [sflag:s9], $0x400  }
0x14: {  	[sflag:s9] =	ssyncset.done $0x0  }
0x15: {  	[sflag:s9] =	ssyncadd.s32 $0xFFFFFC00  }
0x16: {  	v2 =	vld [tilespmem:s4+$0x0];
	_ =	sdelay $0x4  }
0x17: {  	v3 =	vshrl.u32 v2, $0x7  }
0x18: {  	v2 =	vand.u32 $0x7F, v2;
	v4 =	vshll.u32 v3, $0xA;
	v3 =	vshll.u32 v3, $0x8  }
0x19: {  	v4 =	vor.u32 v2, v4;
	v2 =	vor.u32 v2, v3  }
0x1a: {  	s0 =	sand.u32 $0x3F0, s4;
	[tilespmem:s10+$0x0] =	vst v4;
	v3 =	vor.u32 $0x80, v2  }
0x1b: {  	v5 =	vor.u32 $0x380, v4;
	[tilespmem:s0+$0x2800] =	vst v3  }
0x1c: {  	v62 =	vor.u32 $0x280, v4;
	[tilespmem:s0+$0x2000] =	vst v5  }
0x1d: {  	v63 =	vor.u32 $0x180, v4;
	[tilespmem:s0+$0x1800] =	vst v62  }
0x1e: {  	[tilespmem:s0+$0x1000] =	vst v63  }
0x1f: {  	v3 =	vor.u32 $0x300, v4;
	[tilespmem:s0+$0x2400] =	vst v2  }
0x20: {  	[tilespmem:s0+$0x1C00] =	vst v3;
	v3 =	vor.u32 $0x200, v4  }
0x21: {  	[tilespmem:s0+$0x1400] =	vst v3;
	v3 =	vor.u32 $0x100, v4  }
0x22: {  	v4 =	vor.u32 $0x80, v4;
	[tilespmem:s0+$0xC00] =	vst v3  }
0x23: {  	s30 =	simm.s32 $0x10;
	[tilespmem:s0+$0x800] =	vst v4  }
0x24: {  	s31 =	simm.s32 $0x400;
	s3 =	simm.s32 $0x10;
	s0 =	simm.s32 $0x20;
	v2 =	vld [tilespmem:s30+$0x0]  }
.LBB2_2:
0x25: {  	p0 =	sne.s32 s0, $0x3F0;
	_ =	sdelay $0x3  }
0x26: {  	v3 =	vshrl.u32 v2, $0x7  }
0x27: {  	v2 =	vand.u32 $0x7F, v2;
	v4 =	vshll.u32 v3, $0xA;
	v3 =	vshll.u32 v3, $0x8  }
0x28: {  	s31 =	sadd.s32 $0x10, s31;
	v4 =	vor.u32 v2, v4;
	v2 =	vor.u32 v2, v3  }
0x29: {  	s11 =	sand.u32 $0x3F0, s30;
	s30 =	smov.u32 s0;
	[tilespmem:s31+$0x0] =	vst v4;
	v3 =	vor.u32 $0x300, v4;
	v5 =	vor.u32 $0x380, v4;
	v6 =	vor.u32 $0x80, v2  }
0x2a: {  	v7 =	vor.u32 $0x180, v4;
	v8 =	vor.u32 $0x200, v4;
	v9 =	vor.u32 $0x280, v4;
	[tilespmem:s11+$0x2800] =	vst v6  }
0x2b: {  	v6 =	vor.u32 $0x80, v4;
	v4 =	vor.u32 $0x100, v4;
	[tilespmem:s11+$0x2000] =	vst v5  }
0x2c: {  	[tilespmem:s11+$0x1C00] =	vst v3  }
0x2d: {  	[tilespmem:s11+$0x1800] =	vst v9  }
0x2e: {  	[tilespmem:s11+$0x1400] =	vst v8  }
.Ltmp0:
0x2f: {  	[tilespmem:s11+$0x1000] =	vst v7;
	(pc) =	sbr.rel @p0 .LBB2_2-.Ltmp0, $4  }
0x30: {  	[tilespmem:s11+$0xC00] =	vst v4  }
0x31: {  	[tilespmem:s11+$0x800] =	vst v6  }
0x32: {  	s3 =	sadd.s32 $0x10, s3;
	[tilespmem:s11+$0x2400] =	vst v2  }
0x33: {  	s0 =	sadd.s32 $0x10, s0;
	v2 =	vld [tilespmem:s3+$0x0]  }
0x34: {  	_ =	sdelay $0x3  }
0x35: {  	v3 =	vshrl.u32 v2, $0x7  }
0x36: {  	v2 =	vand.u32 $0x7F, v2;
	v4 =	vshll.u32 v3, $0xA;
	v3 =	vshll.u32 v3, $0x8  }
0x37: {  	s0 =	sadd.s32 $0x10, s31;
	v4 =	vor.u32 v2, v4;
	v2 =	vor.u32 v2, v3  }
0x38: {  	s11 =	sand.u32 $0x3F0, s30;
	[tilespmem:s0+$0x0] =	vst v4;
	v3 =	vor.u32 $0x80, v2  }
0x39: {  	v5 =	vor.u32 $0x380, v4;
	[tilespmem:s11+$0x2800] =	vst v3  }
0x3a: {  	v62 =	vor.u32 $0x280, v4;
	[tilespmem:s11+$0x2000] =	vst v5  }
0x3b: {  	v63 =	vor.u32 $0x180, v4;
	[tilespmem:s11+$0x1800] =	vst v62  }
0x3c: {  	[tilespmem:s11+$0x1000] =	vst v63  }
0x3d: {  	v3 =	vor.u32 $0x300, v4;
	[tilespmem:s11+$0x2400] =	vst v2  }
0x3e: {  	[tilespmem:s11+$0x1C00] =	vst v3;
	v3 =	vor.u32 $0x200, v4  }
0x3f: {  	[tilespmem:s11+$0x1400] =	vst v3;
	v3 =	vor.u32 $0x100, v4  }
0x40: {  	v4 =	vor.u32 $0x80, v4;
	[tilespmem:s11+$0xC00] =	vst v3  }
0x41: {  	s30 =	simm.s32 $0x2C00;
	[tilespmem:s11+$0x800] =	vst v4  }
0x42: {  	[tilespmem:s30], [sflag:$0x1] =	stream.indirect.gather [hbm4b:s1+s8], $0x1, s10, s8, $0xb8;
	[tilespmem:$0x9400] =	vst v63  }
0x43: {  	s31 =	simm.s32 $0x800;
	s3 =	simm.s32 $0x3000  }
0x44: {  	[tilespmem:s3], [sflag:$0x2] =	stream.indirect.gather [hbm4b:s1+s8], $0x1, s31, s8, $0xb8;
	[tilespmem:$0x9400] =	vst v63  }
0x45: {  	s11 =	simm.s32 $0x3400;
	s3 =	simm.s32 $0xC00  }
0x46: {  	[tilespmem:s11], [sflag:$0x3] =	stream.indirect.gather [hbm4b:s1+s8], $0x1, s3, s8, $0xb8;
	[tilespmem:$0x9400] =	vst v63  }
0x47: {  	s30 =	simm.s32 $0x1000;
	s31 =	simm.s32 $0x3800  }
0x48: {  	[tilespmem:s31], [sflag:$0x4] =	stream.indirect.gather [hbm4b:s1+s8], $0x1, s30, s8, $0xb8;
	[tilespmem:$0x9400] =	vst v63  }
0x49: {  	s3 =	simm.s32 $0x1400;
	s11 =	simm.s32 $0x3C00  }
0x4a: {  	[tilespmem:s11], [sflag:$0x5] =	stream.indirect.gather [hbm4b:s1+s8], $0x1, s3, s8, $0xb8;
	[tilespmem:$0x9400] =	vst v63  }
0x4b: {  	s30 =	simm.s32 $0x1800;
	s31 =	simm.s32 $0x4000  }
0x4c: {  	[tilespmem:s31], [sflag:$0x6] =	stream.indirect.gather [hbm4b:s1+s8], $0x1, s30, s8, $0xb8;
	[tilespmem:$0x9400] =	vst v63  }
0x4d: {  	s3 =	simm.s32 $0x1C00;
	s11 =	simm.s32 $0x4400  }
0x4e: {  	[tilespmem:s11], [sflag:$0x7] =	stream.indirect.gather [hbm4b:s1+s8], $0x1, s3, s8, $0xb8;
	[tilespmem:$0x9400] =	vst v63  }
0x4f: {  	s30 =	simm.s32 $0x2000;
	s31 =	simm.s32 $0x4800  }
0x50: {  	[tilespmem:s31], [sflag:$0x8] =	stream.indirect.gather [hbm4b:s1+s8], $0x1, s30, s8, $0xb8;
	[tilespmem:$0x9400] =	vst v63  }
0x51: {  	s3 =	simm.s32 $0x2400;
	s11 =	simm.s32 $0x4C00  }
0x52: {  	[tilespmem:s11], [sflag:$0x9] =	stream.indirect.gather [hbm4b:s2+s8], $0x1, s3, s8, $0xb8;
	[tilespmem:$0x9400] =	vst v63  }
0x53: {  	s30 =	simm.s32 $0x2800;
	s31 =	simm.s32 $0x5000  }
0x54: {  	[tilespmem:s31], [sflag:$0xA] =	stream.indirect.gather [hbm4b:s2+s8], $0x1, s30, s8, $0xb8;
	[tilespmem:$0x9400] =	vst v63  }
0x55: {  	s3 =	simm.s32 $0x480;
	s11 =	simm.s32 $0x2C80  }
0x56: {  	[tilespmem:s11], [sflag:$0x1] =	stream.indirect.gather [hbm4b:s1+s8], $0x1, s3, s8, $0xb8;
	[tilespmem:$0x9400] =	vst v63  }
0x57: {  	s30 =	simm.s32 $0x880;
	s31 =	simm.s32 $0x3080  }
0x58: {  	[tilespmem:s31], [sflag:$0x2] =	stream.indirect.gather [hbm4b:s1+s8], $0x1, s30, s8, $0xb8;
	[tilespmem:$0x9400] =	vst v63  }
0x59: {  	s3 =	simm.s32 $0xC80;
	s11 =	simm.s32 $0x3480  }
0x5a: {  	[tilespmem:s11], [sflag:$0x3] =	stream.indirect.gather [hbm4b:s1+s8], $0x1, s3, s8, $0xb8;
	[tilespmem:$0x9400] =	vst v63  }
0x5b: {  	s30 =	simm.s32 $0x1080;
	s31 =	simm.s32 $0x3880  }
0x5c: {  	[tilespmem:s31], [sflag:$0x4] =	stream.indirect.gather [hbm4b:s1+s8], $0x1, s30, s8, $0xb8;
	[tilespmem:$0x9400] =	vst v63  }
0x5d: {  	s3 =	simm.s32 $0x1480;
	s11 =	simm.s32 $0x3C80  }
0x5e: {  	[tilespmem:s11], [sflag:$0x5] =	stream.indirect.gather [hbm4b:s1+s8], $0x1, s3, s8, $0xb8;
	[tilespmem:$0x9400] =	vst v63  }
0x5f: {  	s30 =	simm.s32 $0x1880;
	s31 =	simm.s32 $0x4080  }
0x60: {  	[tilespmem:s31], [sflag:$0x6] =	stream.indirect.gather [hbm4b:s1+s8], $0x1, s30, s8, $0xb8;
	[tilespmem:$0x9400] =	vst v63  }
0x61: {  	s3 =	simm.s32 $0x1C80;
	s11 =	simm.s32 $0x4480  }
0x62: {  	[tilespmem:s11], [sflag:$0x7] =	stream.indirect.gather [hbm4b:s1+s8], $0x1, s3, s8, $0xb8;
	[tilespmem:$0x9400] =	vst v63  }
0x63: {  	s30 =	simm.s32 $0x2080;
	s31 =	simm.s32 $0x4880  }
0x64: {  	[tilespmem:s31], [sflag:$0x8] =	stream.indirect.gather [hbm4b:s1+s8], $0x1, s30, s8, $0xb8;
	[tilespmem:$0x9400] =	vst v63  }
0x65: {  	s3 =	simm.s32 $0x2480;
	s11 =	simm.s32 $0x4C80  }
0x66: {  	[tilespmem:s11], [sflag:$0x9] =	stream.indirect.gather [hbm4b:s2+s8], $0x1, s3, s8, $0xb8;
	[tilespmem:$0x9400] =	vst v63  }
0x67: {  	s30 =	simm.s32 $0x2880;
	s31 =	simm.s32 $0x5080  }
0x68: {  	[tilespmem:s31], [sflag:$0xA] =	stream.indirect.gather [hbm4b:s2+s8], $0x1, s30, s8, $0xb8;
	[tilespmem:$0x9400] =	vst v63  }
0x69: {  	s3 =	simm.s32 $0x500;
	s11 =	simm.s32 $0x2D00  }
0x6a: {  	[tilespmem:s11], [sflag:$0x1] =	stream.indirect.gather [hbm4b:s1+s8], $0x1, s3, s8, $0xb8;
	[tilespmem:$0x9400] =	vst v63  }
0x6b: {  	s30 =	simm.s32 $0x900;
	s31 =	simm.s32 $0x3100  }
0x6c: {  	[tilespmem:s31], [sflag:$0x2] =	stream.indirect.gather [hbm4b:s1+s8], $0x1, s30, s8, $0xb8;
	[tilespmem:$0x9400] =	vst v63  }
0x6d: {  	s3 =	simm.s32 $0xD00;
	s11 =	simm.s32 $0x3500  }
0x6e: {  	[tilespmem:s11], [sflag:$0x3] =	stream.indirect.gather [hbm4b:s1+s8], $0x1, s3, s8, $0xb8;
	[tilespmem:$0x9400] =	vst v63  }
0x6f: {  	s30 =	simm.s32 $0x1100;
	s31 =	simm.s32 $0x3900  }
0x70: {  	[tilespmem:s31], [sflag:$0x4] =	stream.indirect.gather [hbm4b:s1+s8], $0x1, s30, s8, $0xb8;
	[tilespmem:$0x9400] =	vst v63  }
0x71: {  	s3 =	simm.s32 $0x1500;
	s11 =	simm.s32 $0x3D00  }
0x72: {  	[tilespmem:s11], [sflag:$0x5] =	stream.indirect.gather [hbm4b:s1+s8], $0x1, s3, s8, $0xb8;
	[tilespmem:$0x9400] =	vst v63  }
0x73: {  	s30 =	simm.s32 $0x1900;
	s31 =	simm.s32 $0x4100  }
0x74: {  	[tilespmem:s31], [sflag:$0x6] =	stream.indirect.gather [hbm4b:s1+s8], $0x1, s30, s8, $0xb8;
	[tilespmem:$0x9400] =	vst v63  }
0x75: {  	s3 =	simm.s32 $0x1D00;
	s11 =	simm.s32 $0x4500  }
0x76: {  	[tilespmem:s11], [sflag:$0x7] =	stream.indirect.gather [hbm4b:s1+s8], $0x1, s3, s8, $0xb8;
	[tilespmem:$0x9400] =	vst v63  }
0x77: {  	s30 =	simm.s32 $0x2100;
	s31 =	simm.s32 $0x4900  }
0x78: {  	[tilespmem:s31], [sflag:$0x8] =	stream.indirect.gather [hbm4b:s1+s8], $0x1, s30, s8, $0xb8;
	[tilespmem:$0x9400] =	vst v63  }
0x79: {  	s3 =	simm.s32 $0x2500;
	s11 =	simm.s32 $0x4D00  }
0x7a: {  	[tilespmem:s11], [sflag:$0x9] =	stream.indirect.gather [hbm4b:s2+s8], $0x1, s3, s8, $0xb8;
	[tilespmem:$0x9400] =	vst v63  }
0x7b: {  	s30 =	simm.s32 $0x2900;
	s31 =	simm.s32 $0x5100  }
0x7c: {  	[tilespmem:s31], [sflag:$0xA] =	stream.indirect.gather [hbm4b:s2+s8], $0x1, s30, s8, $0xb8;
	[tilespmem:$0x9400] =	vst v63  }
0x7d: {  	s3 =	simm.s32 $0x580;
	s11 =	simm.s32 $0x2D80  }
0x7e: {  	[tilespmem:s11], [sflag:$0x1] =	stream.indirect.gather [hbm4b:s1+s8], $0x1, s3, s8, $0xb8;
	[tilespmem:$0x9400] =	vst v63  }
0x7f: {  	s30 =	simm.s32 $0x980;
	s31 =	simm.s32 $0x3180  }
0x80: {  	[tilespmem:s31], [sflag:$0x2] =	stream.indirect.gather [hbm4b:s1+s8], $0x1, s30, s8, $0xb8;
	[tilespmem:$0x9400] =	vst v63  }
0x81: {  	s3 =	simm.s32 $0xD80;
	s11 =	simm.s32 $0x3580  }
0x82: {  	[tilespmem:s11], [sflag:$0x3] =	stream.indirect.gather [hbm4b:s1+s8], $0x1, s3, s8, $0xb8;
	[tilespmem:$0x9400] =	vst v63  }
0x83: {  	s30 =	simm.s32 $0x1180;
	s31 =	simm.s32 $0x3980  }
0x84: {  	[tilespmem:s31], [sflag:$0x4] =	stream.indirect.gather [hbm4b:s1+s8], $0x1, s30, s8, $0xb8;
	[tilespmem:$0x9400] =	vst v63  }
0x85: {  	s3 =	simm.s32 $0x1580;
	s11 =	simm.s32 $0x3D80  }
0x86: {  	[tilespmem:s11], [sflag:$0x5] =	stream.indirect.gather [hbm4b:s1+s8], $0x1, s3, s8, $0xb8;
	[tilespmem:$0x9400] =	vst v63  }
0x87: {  	s30 =	simm.s32 $0x1980;
	s31 =	simm.s32 $0x4180  }
0x88: {  	[tilespmem:s31], [sflag:$0x6] =	stream.indirect.gather [hbm4b:s1+s8], $0x1, s30, s8, $0xb8;
	[tilespmem:$0x9400] =	vst v63  }
0x89: {  	s3 =	simm.s32 $0x1D80;
	s11 =	simm.s32 $0x4580  }
0x8a: {  	[tilespmem:s11], [sflag:$0x7] =	stream.indirect.gather [hbm4b:s1+s8], $0x1, s3, s8, $0xb8;
	[tilespmem:$0x9400] =	vst v63  }
0x8b: {  	s30 =	simm.s32 $0x2180;
	s31 =	simm.s32 $0x4980  }
0x8c: {  	[tilespmem:s31], [sflag:$0x8] =	stream.indirect.gather [hbm4b:s1+s8], $0x1, s30, s8, $0xb8;
	[tilespmem:$0x9400] =	vst v63  }
0x8d: {  	s3 =	simm.s32 $0x2580;
	s11 =	simm.s32 $0x4D80  }
0x8e: {  	[tilespmem:s11], [sflag:$0x9] =	stream.indirect.gather [hbm4b:s2+s8], $0x1, s3, s8, $0xb8;
	[tilespmem:$0x9400] =	vst v63  }
0x8f: {  	s30 =	simm.s32 $0x2980;
	s31 =	simm.s32 $0x5180  }
0x90: {  	[tilespmem:s31], [sflag:$0xA] =	stream.indirect.gather [hbm4b:s2+s8], $0x1, s30, s8, $0xb8;
	[tilespmem:$0x9400] =	vst v63  }
0x91: {  	s3 =	simm.s32 $0x600;
	s11 =	simm.s32 $0x2E00  }
0x92: {  	[tilespmem:s11], [sflag:$0x1] =	stream.indirect.gather [hbm4b:s1+s8], $0x1, s3, s8, $0xb8;
	[tilespmem:$0x9400] =	vst v63  }
0x93: {  	s30 =	simm.s32 $0xA00;
	s31 =	simm.s32 $0x3200  }
0x94: {  	[tilespmem:s31], [sflag:$0x2] =	stream.indirect.gather [hbm4b:s1+s8], $0x1, s30, s8, $0xb8;
	[tilespmem:$0x9400] =	vst v63  }
0x95: {  	s3 =	simm.s32 $0xE00;
	s11 =	simm.s32 $0x3600  }
0x96: {  	[tilespmem:s11], [sflag:$0x3] =	stream.indirect.gather [hbm4b:s1+s8], $0x1, s3, s8, $0xb8;
	[tilespmem:$0x9400] =	vst v63  }
0x97: {  	s30 =	simm.s32 $0x1200;
	s31 =	simm.s32 $0x3A00  }
0x98: {  	[tilespmem:s31], [sflag:$0x4] =	stream.indirect.gather [hbm4b:s1+s8], $0x1, s30, s8, $0xb8;
	[tilespmem:$0x9400] =	vst v63  }
0x99: {  	s3 =	simm.s32 $0x1600;
	s11 =	simm.s32 $0x3E00  }
0x9a: {  	[tilespmem:s11], [sflag:$0x5] =	stream.indirect.gather [hbm4b:s1+s8], $0x1, s3, s8, $0xb8;
	[tilespmem:$0x9400] =	vst v63  }
0x9b: {  	s30 =	simm.s32 $0x1A00;
	s31 =	simm.s32 $0x4200  }
0x9c: {  	[tilespmem:s31], [sflag:$0x6] =	stream.indirect.gather [hbm4b:s1+s8], $0x1, s30, s8, $0xb8;
	[tilespmem:$0x9400] =	vst v63  }
0x9d: {  	s3 =	simm.s32 $0x1E00;
	s11 =	simm.s32 $0x4600  }
0x9e: {  	[tilespmem:s11], [sflag:$0x7] =	stream.indirect.gather [hbm4b:s1+s8], $0x1, s3, s8, $0xb8;
	[tilespmem:$0x9400] =	vst v63  }
0x9f: {  	s30 =	simm.s32 $0x2200;
	s31 =	simm.s32 $0x4A00  }
0xa0: {  	[tilespmem:s31], [sflag:$0x8] =	stream.indirect.gather [hbm4b:s1+s8], $0x1, s30, s8, $0xb8;
	[tilespmem:$0x9400] =	vst v63  }
0xa1: {  	s3 =	simm.s32 $0x2600;
	s11 =	simm.s32 $0x4E00  }
0xa2: {  	[tilespmem:s11], [sflag:$0x9] =	stream.indirect.gather [hbm4b:s2+s8], $0x1, s3, s8, $0xb8;
	[tilespmem:$0x9400] =	vst v63  }
0xa3: {  	s30 =	simm.s32 $0x2A00;
	s31 =	simm.s32 $0x5200  }
0xa4: {  	[tilespmem:s31], [sflag:$0xA] =	stream.indirect.gather [hbm4b:s2+s8], $0x1, s30, s8, $0xb8;
	[tilespmem:$0x9400] =	vst v63  }
0xa5: {  	s3 =	simm.s32 $0x680;
	s11 =	simm.s32 $0x2E80  }
0xa6: {  	[tilespmem:s11], [sflag:$0x1] =	stream.indirect.gather [hbm4b:s1+s8], $0x1, s3, s8, $0xb8;
	[tilespmem:$0x9400] =	vst v63  }
0xa7: {  	s30 =	simm.s32 $0xA80;
	s31 =	simm.s32 $0x3280  }
0xa8: {  	[tilespmem:s31], [sflag:$0x2] =	stream.indirect.gather [hbm4b:s1+s8], $0x1, s30, s8, $0xb8;
	[tilespmem:$0x9400] =	vst v63  }
0xa9: {  	s3 =	simm.s32 $0xE80;
	s11 =	simm.s32 $0x3680  }
0xaa: {  	[tilespmem:s11], [sflag:$0x3] =	stream.indirect.gather [hbm4b:s1+s8], $0x1, s3, s8, $0xb8;
	[tilespmem:$0x9400] =	vst v63  }
0xab: {  	s30 =	simm.s32 $0x1280;
	s31 =	simm.s32 $0x3A80  }
0xac: {  	[tilespmem:s31], [sflag:$0x4] =	stream.indirect.gather [hbm4b:s1+s8], $0x1, s30, s8, $0xb8;
	[tilespmem:$0x9400] =	vst v63  }
0xad: {  	s3 =	simm.s32 $0x1680;
	s11 =	simm.s32 $0x3E80  }
0xae: {  	[tilespmem:s11], [sflag:$0x5] =	stream.indirect.gather [hbm4b:s1+s8], $0x1, s3, s8, $0xb8;
	[tilespmem:$0x9400] =	vst v63  }
0xaf: {  	s30 =	simm.s32 $0x1A80;
	s31 =	simm.s32 $0x4280  }
0xb0: {  	[tilespmem:s31], [sflag:$0x6] =	stream.indirect.gather [hbm4b:s1+s8], $0x1, s30, s8, $0xb8;
	[tilespmem:$0x9400] =	vst v63  }
0xb1: {  	s3 =	simm.s32 $0x1E80;
	s11 =	simm.s32 $0x4680  }
0xb2: {  	[tilespmem:s11], [sflag:$0x7] =	stream.indirect.gather [hbm4b:s1+s8], $0x1, s3, s8, $0xb8;
	[tilespmem:$0x9400] =	vst v63  }
0xb3: {  	s30 =	simm.s32 $0x2280;
	s31 =	simm.s32 $0x4A80  }
0xb4: {  	[tilespmem:s31], [sflag:$0x8] =	stream.indirect.gather [hbm4b:s1+s8], $0x1, s30, s8, $0xb8;
	[tilespmem:$0x9400] =	vst v63  }
0xb5: {  	s3 =	simm.s32 $0x2680;
	s11 =	simm.s32 $0x4E80  }
0xb6: {  	[tilespmem:s11], [sflag:$0x9] =	stream.indirect.gather [hbm4b:s2+s8], $0x1, s3, s8, $0xb8;
	[tilespmem:$0x9400] =	vst v63  }
0xb7: {  	s30 =	simm.s32 $0x2A80;
	s31 =	simm.s32 $0x5280  }
0xb8: {  	[tilespmem:s31], [sflag:$0xA] =	stream.indirect.gather [hbm4b:s2+s8], $0x1, s30, s8, $0xb8;
	[tilespmem:$0x9400] =	vst v63  }
0xb9: {  	s3 =	simm.s32 $0x700;
	s11 =	simm.s32 $0x2F00  }
0xba: {  	[tilespmem:s11], [sflag:$0x1] =	stream.indirect.gather [hbm4b:s1+s8], $0x1, s3, s8, $0xb8;
	[tilespmem:$0x9400] =	vst v63  }
0xbb: {  	s30 =	simm.s32 $0xB00;
	s31 =	simm.s32 $0x3300  }
0xbc: {  	[tilespmem:s31], [sflag:$0x2] =	stream.indirect.gather [hbm4b:s1+s8], $0x1, s30, s8, $0xb8;
	[tilespmem:$0x9400] =	vst v63  }
0xbd: {  	s3 =	simm.s32 $0xF00;
	s11 =	simm.s32 $0x3700  }
0xbe: {  	[tilespmem:s11], [sflag:$0x3] =	stream.indirect.gather [hbm4b:s1+s8], $0x1, s3, s8, $0xb8;
	[tilespmem:$0x9400] =	vst v63  }
0xbf: {  	s30 =	simm.s32 $0x1300;
	s31 =	simm.s32 $0x3B00  }
0xc0: {  	[tilespmem:s31], [sflag:$0x4] =	stream.indirect.gather [hbm4b:s1+s8], $0x1, s30, s8, $0xb8;
	[tilespmem:$0x9400] =	vst v63  }
0xc1: {  	s3 =	simm.s32 $0x1700;
	s11 =	simm.s32 $0x3F00  }
0xc2: {  	[tilespmem:s11], [sflag:$0x5] =	stream.indirect.gather [hbm4b:s1+s8], $0x1, s3, s8, $0xb8;
	[tilespmem:$0x9400] =	vst v63  }
0xc3: {  	s30 =	simm.s32 $0x1B00;
	s31 =	simm.s32 $0x4300  }
0xc4: {  	[tilespmem:s31], [sflag:$0x6] =	stream.indirect.gather [hbm4b:s1+s8], $0x1, s30, s8, $0xb8;
	[tilespmem:$0x9400] =	vst v63  }
0xc5: {  	s3 =	simm.s32 $0x1F00;
	s11 =	simm.s32 $0x4700  }
0xc6: {  	[tilespmem:s11], [sflag:$0x7] =	stream.indirect.gather [hbm4b:s1+s8], $0x1, s3, s8, $0xb8;
	[tilespmem:$0x9400] =	vst v63  }
0xc7: {  	s30 =	simm.s32 $0x2300;
	s31 =	simm.s32 $0x4B00  }
0xc8: {  	[tilespmem:s31], [sflag:$0x8] =	stream.indirect.gather [hbm4b:s1+s8], $0x1, s30, s8, $0xb8;
	[tilespmem:$0x9400] =	vst v63  }
0xc9: {  	s3 =	simm.s32 $0x2700;
	s11 =	simm.s32 $0x4F00  }
0xca: {  	[tilespmem:s11], [sflag:$0x9] =	stream.indirect.gather [hbm4b:s2+s8], $0x1, s3, s8, $0xb8;
	[tilespmem:$0x9400] =	vst v63  }
0xcb: {  	s30 =	simm.s32 $0x2B00;
	s31 =	simm.s32 $0x5300  }
0xcc: {  	[tilespmem:s31], [sflag:$0xA] =	stream.indirect.gather [hbm4b:s2+s8], $0x1, s30, s8, $0xb8;
	[tilespmem:$0x9400] =	vst v63  }
0xcd: {  	s3 =	simm.s32 $0x780;
	s11 =	simm.s32 $0x2F80  }
0xce: {  	[tilespmem:s11], [sflag:$0x1] =	stream.indirect.gather [hbm4b:s1+s8], $0x1, s3, s8, $0xb8;
	[tilespmem:$0x9400] =	vst v63  }
0xcf: {  	s30 =	simm.s32 $0xB80;
	s31 =	simm.s32 $0x3380  }
0xd0: {  	[tilespmem:s31], [sflag:$0x2] =	stream.indirect.gather [hbm4b:s1+s8], $0x1, s30, s8, $0xb8;
	[tilespmem:$0x9400] =	vst v63  }
0xd1: {  	s3 =	simm.s32 $0xF80;
	s11 =	simm.s32 $0x3780  }
0xd2: {  	[tilespmem:s11], [sflag:$0x3] =	stream.indirect.gather [hbm4b:s1+s8], $0x1, s3, s8, $0xb8;
	[tilespmem:$0x9400] =	vst v63  }
0xd3: {  	s30 =	simm.s32 $0x1380;
	s31 =	simm.s32 $0x3B80  }
0xd4: {  	[tilespmem:s31], [sflag:$0x4] =	stream.indirect.gather [hbm4b:s1+s8], $0x1, s30, s8, $0xb8;
	[tilespmem:$0x9400] =	vst v63  }
0xd5: {  	s3 =	simm.s32 $0x1780;
	s11 =	simm.s32 $0x3F80  }
0xd6: {  	[tilespmem:s11], [sflag:$0x5] =	stream.indirect.gather [hbm4b:s1+s8], $0x1, s3, s8, $0xb8;
	[tilespmem:$0x9400] =	vst v63  }
0xd7: {  	s30 =	simm.s32 $0x1B80;
	s31 =	simm.s32 $0x4380  }
0xd8: {  	[tilespmem:s31], [sflag:$0x6] =	stream.indirect.gather [hbm4b:s1+s8], $0x1, s30, s8, $0xb8;
	[tilespmem:$0x9400] =	vst v63  }
0xd9: {  	s3 =	simm.s32 $0x1F80;
	s11 =	simm.s32 $0x4780  }
0xda: {  	[tilespmem:s11], [sflag:$0x7] =	stream.indirect.gather [hbm4b:s1+s8], $0x1, s3, s8, $0xb8;
	[tilespmem:$0x9400] =	vst v63  }
0xdb: {  	s30 =	simm.s32 $0x2380;
	s31 =	simm.s32 $0x4B80  }
0xdc: {  	[tilespmem:s31], [sflag:$0x8] =	stream.indirect.gather [hbm4b:s1+s8], $0x1, s30, s8, $0xb8;
	[tilespmem:$0x9400] =	vst v63  }
0xdd: {  	_ = 	snop  }
0xde: {  	[tilespmem:s13], [sflag:$0x9] =	stream.indirect.gather [hbm4b:s2+s8], $0x1, s12, s8, $0xb8;
	[tilespmem:$0x9400] =	vst v63  }
0xdf: {  	s0 =	simm.s32 $0x40;
	s3 =	simm.s32 $0x0  }
0xe0: {  	[tilespmem:s15], [sflag:$0xA] =	stream.indirect.gather [hbm4b:s2+s8], $0x1, s14, s8, $0xb8;
	[tilespmem:$0x9400] =	vst v63  }
.LBB2_4:
0xe1: {  	p0 =	sne.s32 s0, $0xFFC0;
	[tilespmem:s3+$0x5400] =	vst v0;
	s3 =	smov.u32 s0;
	s0 =	sadd.s32 $0x40, s0  }
.Ltmp1:
0xe2: {  	(pc) =	sbr.rel @p0 .LBB2_4-.Ltmp1, $2  }
0xe3: {  	_ =	sdelay $0x2  }
0xe4: {  	s3 =	sshra.s32 s3, $0x2  }
0xe5: {  	[tilespmem:s3+$0x5400] =	vst v0  }
0xe6: {  	_ =	swait.ge [sflag:s16], $0x400  }
0xe7: {  	[sflag:s16] =	ssyncset.done $0x0  }
0xe8: {  	s11 =	simm.s32 $0x0;
	s0 =	simm.s32 $0x2C00;
	[sflag:s16] =	ssyncadd.s32 $0xFFFFFC00  }
0xe9: {  	s3 =	simm.s32 $0x100;
	v3 =	vor.u32 s11, v1;
	v2 =	vld [tilespmem:s0+$0x0]  }
.LBB2_6:
0xea: {  	p0 =	sne.s32 s3, $0x3F00  }
.Ltmp2:
0xeb: {  	_ = 	snop;
	(pc) =	sbr.rel @p0 .LBB2_6-.Ltmp2, $3  }
0xec: {  	_ =	sdelay $0x1  }
0xed: {  	s0 =	sadd.s32 $0x10, s0;
	s11 =	smov.u32 s3;
	s3 =	sadd.s32 $0x100, s3;
	[tilespmem:v3+s17+$0x0] =	vst.idx.msk $0xffff, v2  }
0xee: {  	v3 =	vor.u32 s11, v1;
	v2 =	vld [tilespmem:s0+$0x0]  }
0xef: {  	_ =	sdelay $0x3  }
0xf0: {  	[tilespmem:v3+s17+$0x0] =	vst.idx.msk $0xffff, v2  }
0xf1: {  	_ =	swait.ge [sflag:s18], $0x400  }
0xf2: {  	s0 =	simm.s32 $0x0;
	[sflag:s18] =	ssyncset.done $0x0  }
0xf3: {  	s3 =	simm.s32 $0x1;
	s11 =	sand.u32 $0x3F0, s0;
	[sflag:s18] =	ssyncadd.s32 $0xFFFFFC00  }
0xf4: {  	v3 =	vor.u32 s3, v1;
	v2 =	vld [tilespmem:s11+$0x3000];
	_ =	sdelay $0x2  }
0xf5: {  	s0 =	simm.s32 $0x101;
	s3 =	simm.s32 $0x10  }
.LBB2_8:
0xf6: {  	s11 =	sand.u32 $0x3F0, s3  }
0xf7: {  	p0 =	sne.s32 s0, $0x3F01;
	[tilespmem:v3+s17+$0x0] =	vst.idx.msk $0xffff, v2;
	s30 =	smov.u32 s0;
	s0 =	sadd.s32 $0x100, s0  }
.Ltmp3:
0xf8: {  	v2 =	vld [tilespmem:s11+$0x3000];
	v3 =	vor.u32 s30, v1;
	(pc) =	sbr.rel @p0 .LBB2_8-.Ltmp3, $2  }
0xf9: {  	_ =	sdelay $0x2  }
0xfa: {  	s3 =	sadd.s32 $0x10, s3  }
0xfb: {  	_ =	sdelay $0x3  }
0xfc: {  	[tilespmem:v3+s17+$0x0] =	vst.idx.msk $0xffff, v2  }
0xfd: {  	_ =	swait.ge [sflag:s19], $0x400  }
0xfe: {  	s0 =	simm.s32 $0x0;
	[sflag:s19] =	ssyncset.done $0x0  }
0xff: {  	s3 =	simm.s32 $0x2;
	s11 =	sand.u32 $0x3F0, s0;
	[sflag:s19] =	ssyncadd.s32 $0xFFFFFC00  }
0x100: {  	v3 =	vor.u32 s3, v1;
	v2 =	vld [tilespmem:s11+$0x3400];
	_ =	sdelay $0x2  }
0x101: {  	s0 =	simm.s32 $0x102;
	s3 =	simm.s32 $0x10  }
.LBB2_10:
0x102: {  	s11 =	sand.u32 $0x3F0, s3  }
0x103: {  	p0 =	sne.s32 s0, $0x3F02;
	[tilespmem:v3+s17+$0x0] =	vst.idx.msk $0xffff, v2;
	s30 =	smov.u32 s0;
	s0 =	sadd.s32 $0x100, s0  }
.Ltmp4:
0x104: {  	v2 =	vld [tilespmem:s11+$0x3400];
	v3 =	vor.u32 s30, v1;
	(pc) =	sbr.rel @p0 .LBB2_10-.Ltmp4, $2  }
0x105: {  	_ =	sdelay $0x2  }
0x106: {  	s3 =	sadd.s32 $0x10, s3  }
0x107: {  	_ =	sdelay $0x3  }
0x108: {  	[tilespmem:v3+s17+$0x0] =	vst.idx.msk $0xffff, v2  }
0x109: {  	_ =	swait.ge [sflag:s20], $0x400  }
0x10a: {  	s0 =	simm.s32 $0x0;
	[sflag:s20] =	ssyncset.done $0x0  }
0x10b: {  	s3 =	simm.s32 $0x3;
	s11 =	sand.u32 $0x3F0, s0;
	[sflag:s20] =	ssyncadd.s32 $0xFFFFFC00  }
0x10c: {  	v3 =	vor.u32 s3, v1;
	v2 =	vld [tilespmem:s11+$0x3800];
	_ =	sdelay $0x2  }
0x10d: {  	s0 =	simm.s32 $0x103;
	s3 =	simm.s32 $0x10  }
.LBB2_12:
0x10e: {  	s11 =	sand.u32 $0x3F0, s3  }
0x10f: {  	p0 =	sne.s32 s0, $0x3F03;
	[tilespmem:v3+s17+$0x0] =	vst.idx.msk $0xffff, v2;
	s30 =	smov.u32 s0;
	s0 =	sadd.s32 $0x100, s0  }
.Ltmp5:
0x110: {  	v2 =	vld [tilespmem:s11+$0x3800];
	v3 =	vor.u32 s30, v1;
	(pc) =	sbr.rel @p0 .LBB2_12-.Ltmp5, $2  }
0x111: {  	_ =	sdelay $0x2  }
0x112: {  	s3 =	sadd.s32 $0x10, s3  }
0x113: {  	_ =	sdelay $0x3  }
0x114: {  	[tilespmem:v3+s17+$0x0] =	vst.idx.msk $0xffff, v2  }
0x115: {  	_ =	swait.ge [sflag:s21], $0x400  }
0x116: {  	s0 =	simm.s32 $0x0;
	[sflag:s21] =	ssyncset.done $0x0  }
0x117: {  	s3 =	simm.s32 $0x4;
	s11 =	sand.u32 $0x3F0, s0;
	[sflag:s21] =	ssyncadd.s32 $0xFFFFFC00  }
0x118: {  	v3 =	vor.u32 s3, v1;
	v2 =	vld [tilespmem:s11+$0x3C00];
	_ =	sdelay $0x2  }
0x119: {  	s0 =	simm.s32 $0x104;
	s3 =	simm.s32 $0x10  }
.LBB2_14:
0x11a: {  	s11 =	sand.u32 $0x3F0, s3  }
0x11b: {  	p0 =	sne.s32 s0, $0x3F04;
	[tilespmem:v3+s17+$0x0] =	vst.idx.msk $0xffff, v2;
	s30 =	smov.u32 s0;
	s0 =	sadd.s32 $0x100, s0  }
.Ltmp6:
0x11c: {  	v2 =	vld [tilespmem:s11+$0x3C00];
	v3 =	vor.u32 s30, v1;
	(pc) =	sbr.rel @p0 .LBB2_14-.Ltmp6, $2  }
0x11d: {  	_ =	sdelay $0x2  }
0x11e: {  	s3 =	sadd.s32 $0x10, s3  }
0x11f: {  	_ =	sdelay $0x3  }
0x120: {  	[tilespmem:v3+s17+$0x0] =	vst.idx.msk $0xffff, v2  }
0x121: {  	_ =	swait.ge [sflag:s22], $0x400  }
0x122: {  	s0 =	simm.s32 $0x0;
	[sflag:s22] =	ssyncset.done $0x0  }
0x123: {  	s3 =	simm.s32 $0x5;
	s11 =	sand.u32 $0x3F0, s0;
	[sflag:s22] =	ssyncadd.s32 $0xFFFFFC00  }
0x124: {  	v3 =	vor.u32 s3, v1;
	v2 =	vld [tilespmem:s11+$0x4000];
	_ =	sdelay $0x2  }
0x125: {  	s0 =	simm.s32 $0x105;
	s3 =	simm.s32 $0x10  }
.LBB2_16:
0x126: {  	s11 =	sand.u32 $0x3F0, s3  }
0x127: {  	p0 =	sne.s32 s0, $0x3F05;
	[tilespmem:v3+s17+$0x0] =	vst.idx.msk $0xffff, v2;
	s30 =	smov.u32 s0;
	s0 =	sadd.s32 $0x100, s0  }
.Ltmp7:
0x128: {  	v2 =	vld [tilespmem:s11+$0x4000];
	v3 =	vor.u32 s30, v1;
	(pc) =	sbr.rel @p0 .LBB2_16-.Ltmp7, $2  }
0x129: {  	_ =	sdelay $0x2  }
0x12a: {  	s3 =	sadd.s32 $0x10, s3  }
0x12b: {  	_ =	sdelay $0x3  }
0x12c: {  	[tilespmem:v3+s17+$0x0] =	vst.idx.msk $0xffff, v2  }
0x12d: {  	_ =	swait.ge [sflag:s23], $0x400  }
0x12e: {  	s0 =	simm.s32 $0x0;
	[sflag:s23] =	ssyncset.done $0x0  }
0x12f: {  	s3 =	simm.s32 $0x6;
	s11 =	sand.u32 $0x3F0, s0;
	[sflag:s23] =	ssyncadd.s32 $0xFFFFFC00  }
0x130: {  	v3 =	vor.u32 s3, v1;
	v2 =	vld [tilespmem:s11+$0x4400];
	_ =	sdelay $0x2  }
0x131: {  	s0 =	simm.s32 $0x106;
	s3 =	simm.s32 $0x10  }
.LBB2_18:
0x132: {  	s11 =	sand.u32 $0x3F0, s3  }
0x133: {  	p0 =	sne.s32 s0, $0x3F06;
	[tilespmem:v3+s17+$0x0] =	vst.idx.msk $0xffff, v2;
	s30 =	smov.u32 s0;
	s0 =	sadd.s32 $0x100, s0  }
.Ltmp8:
0x134: {  	v2 =	vld [tilespmem:s11+$0x4400];
	v3 =	vor.u32 s30, v1;
	(pc) =	sbr.rel @p0 .LBB2_18-.Ltmp8, $2  }
0x135: {  	_ =	sdelay $0x2  }
0x136: {  	s3 =	sadd.s32 $0x10, s3  }
0x137: {  	_ =	sdelay $0x3  }
0x138: {  	[tilespmem:v3+s17+$0x0] =	vst.idx.msk $0xffff, v2  }
0x139: {  	_ =	swait.ge [sflag:s24], $0x400  }
0x13a: {  	s0 =	simm.s32 $0x0;
	[sflag:s24] =	ssyncset.done $0x0  }
0x13b: {  	s3 =	simm.s32 $0x7;
	s11 =	sand.u32 $0x3F0, s0;
	[sflag:s24] =	ssyncadd.s32 $0xFFFFFC00  }
0x13c: {  	v3 =	vor.u32 s3, v1;
	v2 =	vld [tilespmem:s11+$0x4800];
	_ =	sdelay $0x2  }
0x13d: {  	s0 =	simm.s32 $0x107;
	s3 =	simm.s32 $0x10  }
.LBB2_20:
0x13e: {  	s11 =	sand.u32 $0x3F0, s3  }
0x13f: {  	p0 =	sne.s32 s0, $0x3F07;
	[tilespmem:v3+s17+$0x0] =	vst.idx.msk $0xffff, v2;
	s30 =	smov.u32 s0;
	s0 =	sadd.s32 $0x100, s0  }
.Ltmp9:
0x140: {  	v2 =	vld [tilespmem:s11+$0x4800];
	v3 =	vor.u32 s30, v1;
	(pc) =	sbr.rel @p0 .LBB2_20-.Ltmp9, $2  }
0x141: {  	_ =	sdelay $0x2  }
0x142: {  	s3 =	sadd.s32 $0x10, s3  }
0x143: {  	_ =	sdelay $0x3  }
0x144: {  	[tilespmem:v3+s17+$0x0] =	vst.idx.msk $0xffff, v2  }
0x145: {  	_ =	swait.ge [sflag:s25], $0x400  }
0x146: {  	s0 =	simm.s32 $0x0;
	[sflag:s25] =	ssyncset.done $0x0  }
0x147: {  	s3 =	simm.s32 $0x8;
	s11 =	sand.u32 $0x3F0, s0;
	[sflag:s25] =	ssyncadd.s32 $0xFFFFFC00  }
0x148: {  	v3 =	vor.u32 s3, v1;
	v2 =	vld [tilespmem:s11+$0x4C00];
	_ =	sdelay $0x2  }
0x149: {  	s0 =	simm.s32 $0x108;
	s3 =	simm.s32 $0x10  }
.LBB2_22:
0x14a: {  	s11 =	sand.u32 $0x3F0, s3  }
0x14b: {  	p0 =	sne.s32 s0, $0x3F08;
	[tilespmem:v3+s17+$0x0] =	vst.idx.msk $0xffff, v2;
	s30 =	smov.u32 s0;
	s0 =	sadd.s32 $0x100, s0  }
.Ltmp10:
0x14c: {  	v2 =	vld [tilespmem:s11+$0x4C00];
	v3 =	vor.u32 s30, v1;
	(pc) =	sbr.rel @p0 .LBB2_22-.Ltmp10, $2  }
0x14d: {  	_ =	sdelay $0x2  }
0x14e: {  	s3 =	sadd.s32 $0x10, s3  }
0x14f: {  	_ =	sdelay $0x3  }
0x150: {  	[tilespmem:v3+s17+$0x0] =	vst.idx.msk $0xffff, v2  }
0x151: {  	_ =	swait.ge [sflag:s26], $0x400  }
0x152: {  	s0 =	simm.s32 $0x0;
	[sflag:s26] =	ssyncset.done $0x0  }
0x153: {  	s3 =	simm.s32 $0x9;
	s11 =	sand.u32 $0x3F0, s0;
	[sflag:s26] =	ssyncadd.s32 $0xFFFFFC00  }
0x154: {  	v3 =	vor.u32 s3, v1;
	v2 =	vld [tilespmem:s11+$0x5000];
	_ =	sdelay $0x2  }
0x155: {  	s0 =	simm.s32 $0x109;
	s3 =	simm.s32 $0x10  }
.LBB2_24:
0x156: {  	s11 =	sand.u32 $0x3F0, s3  }
0x157: {  	p0 =	sne.s32 s0, $0x3F09;
	[tilespmem:v3+s17+$0x0] =	vst.idx.msk $0xffff, v2;
	s30 =	smov.u32 s0;
	s0 =	sadd.s32 $0x100, s0  }
.Ltmp11:
0x158: {  	v2 =	vld [tilespmem:s11+$0x5000];
	v3 =	vor.u32 s30, v1;
	(pc) =	sbr.rel @p0 .LBB2_24-.Ltmp11, $2  }
0x159: {  	_ =	sdelay $0x2  }
0x15a: {  	s3 =	sadd.s32 $0x10, s3  }
0x15b: {  	_ =	sdelay $0x1  }
0x15c: {  	s29 =	sadd.s32 $0x1, s29  }
0x15d: {  	p0 =	sne.s32 s29, s7  }
.Ltmp12:
0x15e: {  	[tilespmem:v3+s17+$0x0] =	vst.idx.msk $0xffff, v2;
	(pc) =	sbr.rel @p0 .LBB2_1-.Ltmp12, $4  }
0x15f: {  	[hbm4b:s6+s4] =	stream.linear.scatter [tilespmem:s17], [sflag:$0xB], $0x4000, $0x38;
	[tilespmem:$0x9400] =	vst v63  }
0x160: {  	_ =	swait.ge [sflag:s28], $0x4000  }
0x161: {  	[sflag:s28] =	ssyncset.done $0x0  }
0x162: {  	[sflag:s28] =	ssyncadd.s32 $0xFFFFC000  }
0x163: {  	_ =	sfence.sel $0x180000  }
0x164: {  	[bflag:$0x0] =	sbarrier.arrive $0xFFFF  }
0x165: {  	_ =	strace $0x90000047  }
0x166: {  	s0 =	stileid.u32;
	[bflag:$0x2] =	sbarrier.arrive $0xFFFF  }
0x167: {  	p0 =	sne.s32 s0, $0x0;
	s0 =	rddreg [dreg:$0x4]  }
0x168: {  	s0 =	sadd.s32 @!p0 $0x100000, s0  }
0x169: {  	[sflag:s0] =	ssyncadd.tile.s32 @!p0 $0x1;
	_ =	shalt  }
.Lfunc_end2:
_tile_overlayer_lowered:
.L_overlay_start_2:
0x16a: {  	(tag) =	ssettag $0x2  }
0x16b: {  	s0 =	rddreg [dreg:$0x0];
	s2 =	stileid.u32  }
0x16c: {  	s1 =	rddreg [dreg:$0x1];
	p0 =	sne.s32 s2, $0x0  }
0x16d: {  	s3 =	rddreg [dreg:$0x2];
	[bflag:$0x3] =	sbarrier.arrive $0xFFFF;
	s2 =	simm.s32 @!p0 $0x1C0C  }
0x16e: {  	[timem:s3], [sflag:s2] =	dma.local @!p0 [hbm:s0], s1  }
0x16f: {  	s0 =	simm.s32 @!p0 $0xC  }
0x170: {  	_ =	swait.ge @!p0 [sflag:s0], s1  }
0x171: {  	s1 =	ssub.s32 @!p0 $0x0, s1;
	[sflag:s0] =	ssyncset.done @!p0 $0x0  }
0x172: {  	[sflag:s0] =	ssyncadd.s32 @!p0 s1  }
0x173: {  	[bflag:$0x3] =	sbarrier.arrive $0xFFFF  }
0x174: {  	_ =	shalt  }

</sc_bundles>
